<compile_context>
chip_gen: v7x
topology: tpu7x:2x2x1
jax: 0.10.2.dev20260603
libtpu: 0.0.44.dev20260713+nightly
codegen_flags: <defaults>
</compile_context>

<pallas_src>
import functools

import jax
import jax.numpy as jnp
from jax import lax
from jax.experimental import pallas as pl
from jax.experimental.pallas import tpu as pltpu
from jax.experimental.pallas import tpu_sc as plsc

_TEMP = 0.07
_NHARD = 16
_ROWS_PER_BLOCK = 256
_EPS = 1e-12
_SLAB = 128
_SUMK = 5


def _tree_min(xs):
    xs = list(xs)
    while len(xs) > 1:
        nxt = [jnp.minimum(xs[i], xs[i + 1]) for i in range(0, len(xs) - 1, 2)]
        if len(xs) % 2:
            nxt.append(xs[-1])
        xs = nxt
    return xs[0]


def _ce(a, b):
    return jnp.minimum(a, b), jnp.maximum(a, b)


def _merge22(a, b):
    l1, h1 = _ce(a[0], b[0])
    l2, h2 = _ce(a[1], b[1])
    m1, m2 = _ce(h1, l2)
    return (l1, m1, m2, h2)


def _merge44_keep4(a, b):
    l1 = jnp.minimum(a[0], b[3])
    l2 = jnp.minimum(a[1], b[2])
    l3 = jnp.minimum(a[2], b[1])
    l4 = jnp.minimum(a[3], b[0])
    x1, x3 = _ce(l1, l3)
    x2, x4 = _ce(l2, l4)
    y1, y2 = _ce(x1, x2)
    y3, y4 = _ce(x3, x4)
    return (y1, y2, y3, y4)


def _top5_summary(slabs):
    pairs = [_ce(slabs[i], slabs[i + 1]) for i in range(0, len(slabs), 2)]
    quads = [_merge22(pairs[i], pairs[i + 1]) for i in range(0, len(pairs), 2)]
    while len(quads) > 1:
        quads = [_merge44_keep4(quads[i], quads[i + 1])
                 for i in range(0, len(quads), 2)]
    m1, m2, m3, m4 = quads[0]
    masked = [jnp.where(sl <= m4, jnp.float32(jnp.inf), sl) for sl in slabs]
    m5 = _tree_min(masked)
    return [m1, m2, m3, m4, m5]


def _extract_threshold(arr):
    wk = arr
    t = None
    for i in range(_NHARD + 1):
        t = jnp.min(wk, axis=1, keepdims=True)
        if i < _NHARD:
            wk = jnp.where(wk <= t, jnp.float32(jnp.inf), wk)
    return t


def _tc_body(feat_ref, pe_ref, cbt_ref, out_ref):
    f = feat_ref[...]
    pe = pe_ref[...]
    cbt = cbt_ref[...]
    r = f.shape[0]

    b2 = jnp.sum(cbt * cbt, axis=0, keepdims=True)
    sc_b = (1.0 / _TEMP) / jnp.maximum(jnp.sqrt(b2), _EPS)
    qn = jnp.sqrt(jnp.sum(f * f, axis=1, keepdims=True))
    q = f / jnp.maximum(qn, _EPS)

    a = jnp.concatenate([-2.0 * pe, q], axis=0)
    pq = jnp.dot(a, cbt, preferred_element_type=jnp.float32)
    rank = b2 + pq[:r, :]
    s = pq[r:, :] * sc_b

    nslab = rank.shape[1] // _SLAB
    slabs = [rank[:, i * _SLAB:(i + 1) * _SLAB] for i in range(nslab)]
    mins = _top5_summary(slabs)
    summary = jnp.concatenate(mins, axis=1)

    tk_f = _extract_threshold(summary)
    viol = jnp.any(mins[-1] <= tk_f)
    tk = lax.cond(viol, lambda: _extract_threshold(rank), lambda: tk_f)

    w = jnp.where(rank <= tk, jnp.exp(s), 0.0)
    den = jnp.sum(w, axis=1, keepdims=True)

    a2 = jnp.sum(pe * pe, axis=1, keepdims=True)
    kpos = pe / jnp.maximum(jnp.sqrt(a2), _EPS)
    pos_l = jnp.sum(q * kpos, axis=1, keepdims=True) * (1.0 / _TEMP)
    row_loss = jnp.log(den) - pos_l
    out_ref[...] = jnp.full((1, 1, 128), jnp.sum(row_loss), jnp.float32)


def _tc_loss(feat2d, pe, cbt):
    bl, c = feat2d.shape
    k = cbt.shape[1]
    r = _ROWS_PER_BLOCK
    nb = bl // r
    partial = pl.pallas_call(
        _tc_body,
        grid=(nb,),
        compiler_params=pltpu.CompilerParams(
            vmem_limit_bytes=128 * 1024 * 1024,
        ),
        in_specs=[
            pl.BlockSpec((r, c), lambda i: (i, 0)),
            pl.BlockSpec((r, c), lambda i: (i, 0)),
            pl.BlockSpec((c, k), lambda i: (0, 0)),
        ],
        out_specs=pl.BlockSpec((1, 1, 128), lambda i: (i, 0, 0)),
        out_shape=jax.ShapeDtypeStruct((nb, 1, 128), jnp.float32),
    )(feat2d, pe, cbt)
    return jnp.sum(partial[:, 0, 0]) / bl


def _sc_gather(table, idx_flat):
    info = plsc.get_sparse_core_info()
    nw = info.num_cores * info.num_subcores
    b = idx_flat.shape[0]
    d = table.shape[1]
    b_per_w = b // nw
    mesh = plsc.VectorSubcoreMesh(core_axis_name="c", subcore_axis_name="s")

    @functools.partial(
        pl.kernel,
        mesh=mesh,
        out_type=jax.ShapeDtypeStruct((b, d), jnp.float32),
        scratch_types=[
            pltpu.VMEM((b_per_w,), jnp.int32),
            pltpu.VMEM((b_per_w, d), jnp.float32),
            pltpu.SemaphoreType.DMA,
        ],
    )
    def k(table_hbm, idx_hbm, out_hbm, idx_v, rows_v, sem):
        wid = lax.axis_index("s") * info.num_cores + lax.axis_index("c")
        base = wid * b_per_w
        pltpu.sync_copy(idx_hbm.at[pl.ds(base, b_per_w)], idx_v)
        pltpu.async_copy(table_hbm.at[idx_v], rows_v, sem).wait()
        pltpu.sync_copy(rows_v, out_hbm.at[pl.ds(base, b_per_w)])

    return k(table, idx_flat)


def kernel(decoder_feat, codebook, positive_indices):
    b, l, c = decoder_feat.shape
    k = codebook.shape[0]
    idx = jnp.clip(positive_indices.reshape(-1), 0, k - 1).astype(jnp.int32)
    cb_pad = jnp.pad(codebook, ((0, 0), (0, 128 - c)))
    pos_emb = _sc_gather(cb_pad, idx)[:, :c]
    feat2d = decoder_feat.reshape(b * l, c)
    return _tc_loss(feat2d, pos_emb, codebook.T)

# --- scband reference (transcript-rebuilt; emitter-appended) ---
"""Pipeline reference for scband-h-dceloss-17068200035042 (READ-ONLY COPY).

The authoritative reference and input builder live on the scoring server;
editing this copy changes nothing except your own understanding.
"""

import jax, jax.numpy as jnp
import numpy as np

TEMPERATURE = 0.07
NUM_HARD = 16


def _l2norm(x, axis=-1, eps=1e-12):
    n = jnp.sqrt(jnp.sum(x * x, axis=axis, keepdims=True))
    return x / jnp.maximum(n, eps)


def setup_inputs(seed: int = 0) -> dict:
    key = jax.random.key(seed)
    k1, k2, k3 = jax.random.split(key, 3)
    B, L, C, K = 8, 512, 32, 8192
    decoder_feat = jax.random.normal(k1, (B, L, C), dtype=jnp.float32)
    codebook = jax.random.normal(k2, (K, C), dtype=jnp.float32)
    positive_indices = jax.random.randint(k3, (B, L), 0, K, dtype=jnp.int32)
    return {
        "decoder_feat": decoder_feat,
        "codebook": codebook,
        "positive_indices": positive_indices,
    }


def _get_hard_negatives(codebook, positive_idx, num_hard):
    K, C = codebook.shape
    B, L = positive_idx.shape
    pos_idx = jnp.clip(positive_idx, 0, K - 1)
    pos_emb = codebook[pos_idx].reshape(B * L, C)
    # torch.cdist (euclidean) via expansion: ||a||^2 + ||b||^2 - 2 a.b
    a2 = jnp.sum(pos_emb * pos_emb, axis=1, keepdims=True)        # (BL, 1)
    b2 = jnp.sum(codebook * codebook, axis=1)[None, :]            # (1, K)
    d2 = a2 + b2 - 2.0 * (pos_emb @ codebook.T)
    dist = jnp.sqrt(jnp.maximum(d2, 0.0))
    kk = min(num_hard + 1, K)
    # smallest distances -> top_k of negated distances
    _, topk_idx = jax.lax.top_k(-dist, kk)
    hard = topk_idx[:, 1:num_hard + 1]
    return hard.reshape(B, L, -1)


def reference(decoder_feat, codebook, positive_indices):
    B, L, C = decoder_feat.shape
    K = codebook.shape[0]
    pos_idx = jnp.clip(positive_indices, 0, K - 1)
    q = _l2norm(decoder_feat, axis=-1)
    k_pos = _l2norm(codebook[pos_idx], axis=-1)
    pos_logits = jnp.sum(q * k_pos, axis=-1) / TEMPERATURE          # (B, L)
    hard_idx = _get_hard_negatives(codebook, positive_indices, NUM_HARD)
    neg_embs = codebook[jnp.clip(hard_idx, 0, K - 1)]               # (B, L, n, C)
    neg_logits = jnp.einsum('blc,blnc->bln', q, _l2norm(neg_embs, axis=-1)) / TEMPERATURE
    logits = jnp.concatenate([pos_logits[..., None], neg_logits], axis=-1)  # (B, L, 1+n)
    flat = logits.reshape(-1, logits.shape[-1])
    # cross_entropy with label 0 for every row, mean reduction
    lse = jax.scipy.special.logsumexp(flat, axis=-1)
    loss = jnp.mean(lse - flat[:, 0])
    return loss

if __name__ == "__main__":
    import jax
    _d = setup_inputs()
    print(jax.jit(kernel)(*tuple(_d.values())))

</pallas_src>

<mosaic_0001>
#map = affine_map<(d0, d1) -> (0, 0)>
#map1 = affine_map<(d0, d1) -> (0)>
module attributes {stable_mosaic.version = 14 : i64} {
  func.func @k(%arg0: i32, %arg1: i32, %arg2: memref<8192x128xf32, #tpu.memory_space<hbm>>, %arg3: memref<4096xi32, #tpu.memory_space<hbm>>, %arg4: memref<4096x128xf32, #tpu.memory_space<hbm>>, %arg5: memref<128xi32, #tpu.memory_space<vmem>>, %arg6: memref<128x128xf32, #tpu.memory_space<vmem>>, %arg7: memref<!tpu.dma_semaphore, #tpu.memory_space<semaphore_mem>>) attributes {dimension_semantics = [#tpu.dimension_semantics<core_parallel>, #tpu.dimension_semantics<subcore_parallel>], iteration_bounds = array<i64: 2, 16>, scalar_prefetch = 0 : i64, scratch_operands = 3 : i64, tpu.core_type = #tpu.core_type<sc_vector_subcore>, window_params = [{transform_indices = #map}, {transform_indices = #map1}, {transform_indices = #map}]} {
    %mul3A = arith.constant 2 : i32
    %mul3A_0 = arith.muli %arg1, %mul3A : i32
    %add3A = arith.addi %mul3A_0, %arg0 : i32
    %mul3A_1 = arith.constant 128 : i32
    %mul3A_2 = arith.muli %add3A, %mul3A_1 : i32
    "tpu.region"() ({
      %run_scoped3A = tpu.sem_alloc : memref<!tpu.dma_semaphore, #tpu.memory_space<semaphore_mem>>
      %dma_start3A_7 = tpu.memref_slice %arg3[%mul3A_2] : memref<4096xi32, #tpu.memory_space<hbm>> -> memref<128xi32, #tpu.memory_space<hbm>>
      %dma_start3A_8 = tpu.memref_slice %arg3[%mul3A_2] : memref<4096xi32, #tpu.memory_space<hbm>> -> memref<128xi32, #tpu.memory_space<hbm>>
      tpu.enqueue_dma source(%dma_start3A_8 : memref<128xi32, #tpu.memory_space<hbm>>) target(%arg5 : memref<128xi32, #tpu.memory_space<vmem>>) target_semaphore(%run_scoped3A : memref<!tpu.dma_semaphore, #tpu.memory_space<semaphore_mem>>)
      %dma_wait3A_9 = tpu.memref_slice %arg3[%mul3A_2] : memref<4096xi32, #tpu.memory_space<hbm>> -> memref<128xi32, #tpu.memory_space<hbm>>
      %dma_wait3A_10 = tpu.memref_slice %arg3[%mul3A_2] : memref<4096xi32, #tpu.memory_space<hbm>> -> memref<128xi32, #tpu.memory_space<hbm>>
      tpu.wait_dma2 semaphore(%run_scoped3A : memref<!tpu.dma_semaphore, #tpu.memory_space<semaphore_mem>>) src(%dma_wait3A_10 : memref<128xi32, #tpu.memory_space<hbm>>) dst(%arg5 : memref<128xi32, #tpu.memory_space<vmem>>)
      tpu.yield
    }) : () -> ()
    %dma_start3A = arith.constant 0 : i32
    %dma_start3A_3 = arith.constant 0 : i32
    %dma_start3A_4 = tpu.memref_slice %arg2[%dma_start3A, %dma_start3A_3] : memref<8192x128xf32, #tpu.memory_space<hbm>> -> memref<8192x128xf32, #tpu.memory_space<hbm>>
    tpu.enqueue_indirect_dma source(%dma_start3A_4 : memref<8192x128xf32, #tpu.memory_space<hbm>>) target(%arg6 : memref<128x128xf32, #tpu.memory_space<vmem>>) offsets(%arg5 : memref<128xi32, #tpu.memory_space<vmem>>) semaphore(%arg7 : memref<!tpu.dma_semaphore, #tpu.memory_space<semaphore_mem>>)
    %dma_wait3A = arith.constant 0 : i32
    %dma_wait3A_5 = arith.constant 0 : i32
    %dma_wait3A_6 = tpu.memref_slice %arg2[%dma_wait3A, %dma_wait3A_5] : memref<8192x128xf32, #tpu.memory_space<hbm>> -> memref<8192x128xf32, #tpu.memory_space<hbm>>
    tpu.wait_indirect_dma semaphore(%arg7 : memref<!tpu.dma_semaphore, #tpu.memory_space<semaphore_mem>>) src(%dma_wait3A_6 : memref<8192x128xf32, #tpu.memory_space<hbm>>) dst(%arg6 : memref<128x128xf32, #tpu.memory_space<vmem>>)
    "tpu.region"() ({
      %run_scoped3A = tpu.sem_alloc : memref<!tpu.dma_semaphore, #tpu.memory_space<semaphore_mem>>
      %dma_start3A_7 = arith.constant 0 : i32
      %dma_start3A_8 = tpu.memref_slice %arg4[%mul3A_2, %dma_start3A_7] : memref<4096x128xf32, #tpu.memory_space<hbm>> -> memref<128x128xf32, #tpu.memory_space<hbm>>
      %dma_start3A_9 = arith.constant 0 : i32
      %dma_start3A_10 = tpu.memref_slice %arg4[%mul3A_2, %dma_start3A_9] : memref<4096x128xf32, #tpu.memory_space<hbm>> -> memref<128x128xf32, #tpu.memory_space<hbm>>
      tpu.enqueue_dma source(%arg6 : memref<128x128xf32, #tpu.memory_space<vmem>>) target(%dma_start3A_10 : memref<128x128xf32, #tpu.memory_space<hbm>>) target_semaphore(%run_scoped3A : memref<!tpu.dma_semaphore, #tpu.memory_space<semaphore_mem>>)
      %dma_wait3A_11 = arith.constant 0 : i32
      %dma_wait3A_12 = tpu.memref_slice %arg4[%mul3A_2, %dma_wait3A_11] : memref<4096x128xf32, #tpu.memory_space<hbm>> -> memref<128x128xf32, #tpu.memory_space<hbm>>
      %dma_wait3A_13 = arith.constant 0 : i32
      %dma_wait3A_14 = tpu.memref_slice %arg4[%mul3A_2, %dma_wait3A_13] : memref<4096x128xf32, #tpu.memory_space<hbm>> -> memref<128x128xf32, #tpu.memory_space<hbm>>
      tpu.wait_dma2 semaphore(%run_scoped3A : memref<!tpu.dma_semaphore, #tpu.memory_space<semaphore_mem>>) src(%arg6 : memref<128x128xf32, #tpu.memory_space<vmem>>) dst(%dma_wait3A_14 : memref<128x128xf32, #tpu.memory_space<hbm>>)
      tpu.yield
    }) : () -> ()
    return
  }
}

module attributes {stable_mosaic.version = 14 : i64} {
  func.func @_tc_body(%arg0: i32, %arg1: memref<256x32xf32, #tpu.memory_space<vmem>>, %arg2: memref<256x32xf32, #tpu.memory_space<vmem>>, %arg3: memref<32x8192xf32, #tpu.memory_space<vmem>>, %arg4: memref<1x1x128xf32, #tpu.memory_space<vmem>>) attributes {dimension_semantics = [#tpu.dimension_semantics<arbitrary>], iteration_bounds = array<i64: 16>, scalar_prefetch = 0 : i64, scratch_operands = 0 : i64, tpu.core_type = #tpu.core_type<tc>, window_params = [{transform_indices = @transform_0, window_bounds = array<i64: 256, 32>}, {transform_indices = @transform_1, window_bounds = array<i64: 256, 32>}, {pipeline_mode = #tpu.pipeline_mode<synchronous>, transform_indices = @transform_2, window_bounds = array<i64: 32, 8192>}, {transform_indices = @transform_3, window_bounds = array<i64: 1, 1, 128>}]} {
    %get3A = arith.constant 0 : index
    %get3A_0 = arith.constant 0 : index
    %get3A_1 = vector.load %arg1[%get3A, %get3A_0] : memref<256x32xf32, #tpu.memory_space<vmem>>, vector<256x32xf32>
    %get3A_2 = arith.constant 0 : index
    %get3A_3 = arith.constant 0 : index
    %get3A_4 = vector.load %arg2[%get3A_2, %get3A_3] : memref<256x32xf32, #tpu.memory_space<vmem>>, vector<256x32xf32>
    %get3A_5 = arith.constant 0 : index
    %get3A_6 = arith.constant 0 : index
    %get3A_7 = vector.load %arg3[%get3A_5, %get3A_6] : memref<32x8192xf32, #tpu.memory_space<vmem>>, vector<32x8192xf32>
    %mul3A = arith.mulf %get3A_7, %get3A_7 : vector<32x8192xf32>
    %reduce_sum3A = arith.constant dense<0.000000e+00> : vector<8192xf32>
    %reduce_sum3A_8 = vector.multi_reduction <add>, %mul3A, %reduce_sum3A [0] : vector<32x8192xf32> to vector<8192xf32>
    %broadcast_in_dim3A = vector.shape_cast %reduce_sum3A_8 : vector<8192xf32> to vector<1x8192xf32>
    %sqrt3A = math.sqrt %broadcast_in_dim3A : vector<1x8192xf32>
    %max3A = arith.constant 9.99999996E-13 : f32
    %max3A_9 = vector.broadcast %max3A : f32 to vector<1x8192xf32>
    %max3A_10 = arith.maximumf %sqrt3A, %max3A_9 : vector<1x8192xf32>
    %div3A = arith.constant 14.2857141 : f32
    %div3A_11 = vector.broadcast %div3A : f32 to vector<1x8192xf32>
    %div3A_12 = arith.divf %div3A_11, %max3A_10 : vector<1x8192xf32>
    %mul3A_13 = arith.mulf %get3A_1, %get3A_1 : vector<256x32xf32>
    %reduce_sum3A_14 = arith.constant dense<0.000000e+00> : vector<256xf32>
    %reduce_sum3A_15 = vector.multi_reduction <add>, %mul3A_13, %reduce_sum3A_14 [1] : vector<256x32xf32> to vector<256xf32>
    %broadcast_in_dim3A_16 = vector.shape_cast %reduce_sum3A_15 : vector<256xf32> to vector<256x1xf32>
    %sqrt3A_17 = math.sqrt %broadcast_in_dim3A_16 : vector<256x1xf32>
    %max3A_18 = arith.constant 9.99999996E-13 : f32
    %max3A_19 = vector.broadcast %max3A_18 : f32 to vector<256x1xf32>
    %max3A_20 = arith.maximumf %sqrt3A_17, %max3A_19 : vector<256x1xf32>
    %div3A_21 = vector.broadcast %max3A_20 : vector<256x1xf32> to vector<256x32xf32>
    %div3A_22 = arith.divf %get3A_1, %div3A_21 : vector<256x32xf32>
    %mul3A_23 = arith.constant -2.000000e+00 : f32
    %mul3A_24 = vector.broadcast %mul3A_23 : f32 to vector<256x32xf32>
    %mul3A_25 = arith.mulf %mul3A_24, %get3A_4 : vector<256x32xf32>
    %concatenate3A = tpu.concatenate %mul3A_25, %div3A_22 in 0 : vector<256x32xf32>, vector<256x32xf32> -> vector<512x32xf32>
    %dot_general3A = arith.constant dense<0.000000e+00> : vector<512x8192xf32>
    %dot_general3A_26 = tpu.matmul %concatenate3A, %get3A_7, %dot_general3A {dimension_numbers = #tpu.dot_dimension_numbers<[1], [0], [0], [1], [0, 0, 1, 1], [], []>, transpose_lhs_hint = false} : vector<512x32xf32>, vector<32x8192xf32>, vector<512x8192xf32> -> vector<512x8192xf32>
    %slice3A = vector.extract_strided_slice %dot_general3A_26 {offsets = [0, 0], sizes = [256, 8192], strides = [1, 1]} : vector<512x8192xf32> to vector<256x8192xf32>
    %add3A = vector.broadcast %broadcast_in_dim3A : vector<1x8192xf32> to vector<256x8192xf32>
    %add3A_27 = arith.addf %add3A, %slice3A : vector<256x8192xf32>
    %slice3A_28 = vector.extract_strided_slice %dot_general3A_26 {offsets = [256, 0], sizes = [256, 8192], strides = [1, 1]} : vector<512x8192xf32> to vector<256x8192xf32>
    %mul3A_29 = vector.broadcast %div3A_12 : vector<1x8192xf32> to vector<256x8192xf32>
    %mul3A_30 = arith.mulf %slice3A_28, %mul3A_29 : vector<256x8192xf32>
    %slice3A_31 = vector.extract_strided_slice %add3A_27 {offsets = [0, 0], sizes = [256, 128], strides = [1, 1]} : vector<256x8192xf32> to vector<256x128xf32>
    %slice3A_32 = vector.extract_strided_slice %add3A_27 {offsets = [0, 128], sizes = [256, 128], strides = [1, 1]} : vector<256x8192xf32> to vector<256x128xf32>
    %slice3A_33 = vector.extract_strided_slice %add3A_27 {offsets = [0, 256], sizes = [256, 128], strides = [1, 1]} : vector<256x8192xf32> to vector<256x128xf32>
    %slice3A_34 = vector.extract_strided_slice %add3A_27 {offsets = [0, 384], sizes = [256, 128], strides = [1, 1]} : vector<256x8192xf32> to vector<256x128xf32>
    %slice3A_35 = vector.extract_strided_slice %add3A_27 {offsets = [0, 512], sizes = [256, 128], strides = [1, 1]} : vector<256x8192xf32> to vector<256x128xf32>
    %slice3A_36 = vector.extract_strided_slice %add3A_27 {offsets = [0, 640], sizes = [256, 128], strides = [1, 1]} : vector<256x8192xf32> to vector<256x128xf32>
    %slice3A_37 = vector.extract_strided_slice %add3A_27 {offsets = [0, 768], sizes = [256, 128], strides = [1, 1]} : vector<256x8192xf32> to vector<256x128xf32>
    %slice3A_38 = vector.extract_strided_slice %add3A_27 {offsets = [0, 896], sizes = [256, 128], strides = [1, 1]} : vector<256x8192xf32> to vector<256x128xf32>
    %slice3A_39 = vector.extract_strided_slice %add3A_27 {offsets = [0, 1024], sizes = [256, 128], strides = [1, 1]} : vector<256x8192xf32> to vector<256x128xf32>
    %slice3A_40 = vector.extract_strided_slice %add3A_27 {offsets = [0, 1152], sizes = [256, 128], strides = [1, 1]} : vector<256x8192xf32> to vector<256x128xf32>
    %slice3A_41 = vector.extract_strided_slice %add3A_27 {offsets = [0, 1280], sizes = [256, 128], strides = [1, 1]} : vector<256x8192xf32> to vector<256x128xf32>
    %slice3A_42 = vector.extract_strided_slice %add3A_27 {offsets = [0, 1408], sizes = [256, 128], strides = [1, 1]} : vector<256x8192xf32> to vector<256x128xf32>
    %slice3A_43 = vector.extract_strided_slice %add3A_27 {offsets = [0, 1536], sizes = [256, 128], strides = [1, 1]} : vector<256x8192xf32> to vector<256x128xf32>
    %slice3A_44 = vector.extract_strided_slice %add3A_27 {offsets = [0, 1664], sizes = [256, 128], strides = [1, 1]} : vector<256x8192xf32> to vector<256x128xf32>
    %slice3A_45 = vector.extract_strided_slice %add3A_27 {offsets = [0, 1792], sizes = [256, 128], strides = [1, 1]} : vector<256x8192xf32> to vector<256x128xf32>
    %slice3A_46 = vector.extract_strided_slice %add3A_27 {offsets = [0, 1920], sizes = [256, 128], strides = [1, 1]} : vector<256x8192xf32> to vector<256x128xf32>
    %slice3A_47 = vector.extract_strided_slice %add3A_27 {offsets = [0, 2048], sizes = [256, 128], strides = [1, 1]} : vector<256x8192xf32> to vector<256x128xf32>
    %slice3A_48 = vector.extract_strided_slice %add3A_27 {offsets = [0, 2176], sizes = [256, 128], strides = [1, 1]} : vector<256x8192xf32> to vector<256x128xf32>
    %slice3A_49 = vector.extract_strided_slice %add3A_27 {offsets = [0, 2304], sizes = [256, 128], strides = [1, 1]} : vector<256x8192xf32> to vector<256x128xf32>
    %slice3A_50 = vector.extract_strided_slice %add3A_27 {offsets = [0, 2432], sizes = [256, 128], strides = [1, 1]} : vector<256x8192xf32> to vector<256x128xf32>
    %slice3A_51 = vector.extract_strided_slice %add3A_27 {offsets = [0, 2560], sizes = [256, 128], strides = [1, 1]} : vector<256x8192xf32> to vector<256x128xf32>
    %slice3A_52 = vector.extract_strided_slice %add3A_27 {offsets = [0, 2688], sizes = [256, 128], strides = [1, 1]} : vector<256x8192xf32> to vector<256x128xf32>
    %slice3A_53 = vector.extract_strided_slice %add3A_27 {offsets = [0, 2816], sizes = [256, 128], strides = [1, 1]} : vector<256x8192xf32> to vector<256x128xf32>
    %slice3A_54 = vector.extract_strided_slice %add3A_27 {offsets = [0, 2944], sizes = [256, 128], strides = [1, 1]} : vector<256x8192xf32> to vector<256x128xf32>
    %slice3A_55 = vector.extract_strided_slice %add3A_27 {offsets = [0, 3072], sizes = [256, 128], strides = [1, 1]} : vector<256x8192xf32> to vector<256x128xf32>
    %slice3A_56 = vector.extract_strided_slice %add3A_27 {offsets = [0, 3200], sizes = [256, 128], strides = [1, 1]} : vector<256x8192xf32> to vector<256x128xf32>
    %slice3A_57 = vector.extract_strided_slice %add3A_27 {offsets = [0, 3328], sizes = [256, 128], strides = [1, 1]} : vector<256x8192xf32> to vector<256x128xf32>
    %slice3A_58 = vector.extract_strided_slice %add3A_27 {offsets = [0, 3456], sizes = [256, 128], strides = [1, 1]} : vector<256x8192xf32> to vector<256x128xf32>
    %slice3A_59 = vector.extract_strided_slice %add3A_27 {offsets = [0, 3584], sizes = [256, 128], strides = [1, 1]} : vector<256x8192xf32> to vector<256x128xf32>
    %slice3A_60 = vector.extract_strided_slice %add3A_27 {offsets = [0, 3712], sizes = [256, 128], strides = [1, 1]} : vector<256x8192xf32> to vector<256x128xf32>
    %slice3A_61 = vector.extract_strided_slice %add3A_27 {offsets = [0, 3840], sizes = [256, 128], strides = [1, 1]} : vector<256x8192xf32> to vector<256x128xf32>
    %slice3A_62 = vector.extract_strided_slice %add3A_27 {offsets = [0, 3968], sizes = [256, 128], strides = [1, 1]} : vector<256x8192xf32> to vector<256x128xf32>
    %slice3A_63 = vector.extract_strided_slice %add3A_27 {offsets = [0, 4096], sizes = [256, 128], strides = [1, 1]} : vector<256x8192xf32> to vector<256x128xf32>
    %slice3A_64 = vector.extract_strided_slice %add3A_27 {offsets = [0, 4224], sizes = [256, 128], strides = [1, 1]} : vector<256x8192xf32> to vector<256x128xf32>
    %slice3A_65 = vector.extract_strided_slice %add3A_27 {offsets = [0, 4352], sizes = [256, 128], strides = [1, 1]} : vector<256x8192xf32> to vector<256x128xf32>
    %slice3A_66 = vector.extract_strided_slice %add3A_27 {offsets = [0, 4480], sizes = [256, 128], strides = [1, 1]} : vector<256x8192xf32> to vector<256x128xf32>
    %slice3A_67 = vector.extract_strided_slice %add3A_27 {offsets = [0, 4608], sizes = [256, 128], strides = [1, 1]} : vector<256x8192xf32> to vector<256x128xf32>
    %slice3A_68 = vector.extract_strided_slice %add3A_27 {offsets = [0, 4736], sizes = [256, 128], strides = [1, 1]} : vector<256x8192xf32> to vector<256x128xf32>
    %slice3A_69 = vector.extract_strided_slice %add3A_27 {offsets = [0, 4864], sizes = [256, 128], strides = [1, 1]} : vector<256x8192xf32> to vector<256x128xf32>
    %slice3A_70 = vector.extract_strided_slice %add3A_27 {offsets = [0, 4992], sizes = [256, 128], strides = [1, 1]} : vector<256x8192xf32> to vector<256x128xf32>
    %slice3A_71 = vector.extract_strided_slice %add3A_27 {offsets = [0, 5120], sizes = [256, 128], strides = [1, 1]} : vector<256x8192xf32> to vector<256x128xf32>
    %slice3A_72 = vector.extract_strided_slice %add3A_27 {offsets = [0, 5248], sizes = [256, 128], strides = [1, 1]} : vector<256x8192xf32> to vector<256x128xf32>
    %slice3A_73 = vector.extract_strided_slice %add3A_27 {offsets = [0, 5376], sizes = [256, 128], strides = [1, 1]} : vector<256x8192xf32> to vector<256x128xf32>
    %slice3A_74 = vector.extract_strided_slice %add3A_27 {offsets = [0, 5504], sizes = [256, 128], strides = [1, 1]} : vector<256x8192xf32> to vector<256x128xf32>
    %slice3A_75 = vector.extract_strided_slice %add3A_27 {offsets = [0, 5632], sizes = [256, 128], strides = [1, 1]} : vector<256x8192xf32> to vector<256x128xf32>
    %slice3A_76 = vector.extract_strided_slice %add3A_27 {offsets = [0, 5760], sizes = [256, 128], strides = [1, 1]} : vector<256x8192xf32> to vector<256x128xf32>
    %slice3A_77 = vector.extract_strided_slice %add3A_27 {offsets = [0, 5888], sizes = [256, 128], strides = [1, 1]} : vector<256x8192xf32> to vector<256x128xf32>
    %slice3A_78 = vector.extract_strided_slice %add3A_27 {offsets = [0, 6016], sizes = [256, 128], strides = [1, 1]} : vector<256x8192xf32> to vector<256x128xf32>
    %slice3A_79 = vector.extract_strided_slice %add3A_27 {offsets = [0, 6144], sizes = [256, 128], strides = [1, 1]} : vector<256x8192xf32> to vector<256x128xf32>
    %slice3A_80 = vector.extract_strided_slice %add3A_27 {offsets = [0, 6272], sizes = [256, 128], strides = [1, 1]} : vector<256x8192xf32> to vector<256x128xf32>
    %slice3A_81 = vector.extract_strided_slice %add3A_27 {offsets = [0, 6400], sizes = [256, 128], strides = [1, 1]} : vector<256x8192xf32> to vector<256x128xf32>
    %slice3A_82 = vector.extract_strided_slice %add3A_27 {offsets = [0, 6528], sizes = [256, 128], strides = [1, 1]} : vector<256x8192xf32> to vector<256x128xf32>
    %slice3A_83 = vector.extract_strided_slice %add3A_27 {offsets = [0, 6656], sizes = [256, 128], strides = [1, 1]} : vector<256x8192xf32> to vector<256x128xf32>
    %slice3A_84 = vector.extract_strided_slice %add3A_27 {offsets = [0, 6784], sizes = [256, 128], strides = [1, 1]} : vector<256x8192xf32> to vector<256x128xf32>
    %slice3A_85 = vector.extract_strided_slice %add3A_27 {offsets = [0, 6912], sizes = [256, 128], strides = [1, 1]} : vector<256x8192xf32> to vector<256x128xf32>
    %slice3A_86 = vector.extract_strided_slice %add3A_27 {offsets = [0, 7040], sizes = [256, 128], strides = [1, 1]} : vector<256x8192xf32> to vector<256x128xf32>
    %slice3A_87 = vector.extract_strided_slice %add3A_27 {offsets = [0, 7168], sizes = [256, 128], strides = [1, 1]} : vector<256x8192xf32> to vector<256x128xf32>
    %slice3A_88 = vector.extract_strided_slice %add3A_27 {offsets = [0, 7296], sizes = [256, 128], strides = [1, 1]} : vector<256x8192xf32> to vector<256x128xf32>
    %slice3A_89 = vector.extract_strided_slice %add3A_27 {offsets = [0, 7424], sizes = [256, 128], strides = [1, 1]} : vector<256x8192xf32> to vector<256x128xf32>
    %slice3A_90 = vector.extract_strided_slice %add3A_27 {offsets = [0, 7552], sizes = [256, 128], strides = [1, 1]} : vector<256x8192xf32> to vector<256x128xf32>
    %slice3A_91 = vector.extract_strided_slice %add3A_27 {offsets = [0, 7680], sizes = [256, 128], strides = [1, 1]} : vector<256x8192xf32> to vector<256x128xf32>
    %slice3A_92 = vector.extract_strided_slice %add3A_27 {offsets = [0, 7808], sizes = [256, 128], strides = [1, 1]} : vector<256x8192xf32> to vector<256x128xf32>
    %slice3A_93 = vector.extract_strided_slice %add3A_27 {offsets = [0, 7936], sizes = [256, 128], strides = [1, 1]} : vector<256x8192xf32> to vector<256x128xf32>
    %slice3A_94 = vector.extract_strided_slice %add3A_27 {offsets = [0, 8064], sizes = [256, 128], strides = [1, 1]} : vector<256x8192xf32> to vector<256x128xf32>
    %min3A = arith.minimumf %slice3A_31, %slice3A_32 : vector<256x128xf32>
    %max3A_95 = arith.maximumf %slice3A_31, %slice3A_32 : vector<256x128xf32>
    %min3A_96 = arith.minimumf %slice3A_33, %slice3A_34 : vector<256x128xf32>
    %max3A_97 = arith.maximumf %slice3A_33, %slice3A_34 : vector<256x128xf32>
    %min3A_98 = arith.minimumf %slice3A_35, %slice3A_36 : vector<256x128xf32>
    %max3A_99 = arith.maximumf %slice3A_35, %slice3A_36 : vector<256x128xf32>
    %min3A_100 = arith.minimumf %slice3A_37, %slice3A_38 : vector<256x128xf32>
    %max3A_101 = arith.maximumf %slice3A_37, %slice3A_38 : vector<256x128xf32>
    %min3A_102 = arith.minimumf %slice3A_39, %slice3A_40 : vector<256x128xf32>
    %max3A_103 = arith.maximumf %slice3A_39, %slice3A_40 : vector<256x128xf32>
    %min3A_104 = arith.minimumf %slice3A_41, %slice3A_42 : vector<256x128xf32>
    %max3A_105 = arith.maximumf %slice3A_41, %slice3A_42 : vector<256x128xf32>
    %min3A_106 = arith.minimumf %slice3A_43, %slice3A_44 : vector<256x128xf32>
    %max3A_107 = arith.maximumf %slice3A_43, %slice3A_44 : vector<256x128xf32>
    %min3A_108 = arith.minimumf %slice3A_45, %slice3A_46 : vector<256x128xf32>
    %max3A_109 = arith.maximumf %slice3A_45, %slice3A_46 : vector<256x128xf32>
    %min3A_110 = arith.minimumf %slice3A_47, %slice3A_48 : vector<256x128xf32>
    %max3A_111 = arith.maximumf %slice3A_47, %slice3A_48 : vector<256x128xf32>
    %min3A_112 = arith.minimumf %slice3A_49, %slice3A_50 : vector<256x128xf32>
    %max3A_113 = arith.maximumf %slice3A_49, %slice3A_50 : vector<256x128xf32>
    %min3A_114 = arith.minimumf %slice3A_51, %slice3A_52 : vector<256x128xf32>
    %max3A_115 = arith.maximumf %slice3A_51, %slice3A_52 : vector<256x128xf32>
    %min3A_116 = arith.minimumf %slice3A_53, %slice3A_54 : vector<256x128xf32>
    %max3A_117 = arith.maximumf %slice3A_53, %slice3A_54 : vector<256x128xf32>
    %min3A_118 = arith.minimumf %slice3A_55, %slice3A_56 : vector<256x128xf32>
    %max3A_119 = arith.maximumf %slice3A_55, %slice3A_56 : vector<256x128xf32>
    %min3A_120 = arith.minimumf %slice3A_57, %slice3A_58 : vector<256x128xf32>
    %max3A_121 = arith.maximumf %slice3A_57, %slice3A_58 : vector<256x128xf32>
    %min3A_122 = arith.minimumf %slice3A_59, %slice3A_60 : vector<256x128xf32>
    %max3A_123 = arith.maximumf %slice3A_59, %slice3A_60 : vector<256x128xf32>
    %min3A_124 = arith.minimumf %slice3A_61, %slice3A_62 : vector<256x128xf32>
    %max3A_125 = arith.maximumf %slice3A_61, %slice3A_62 : vector<256x128xf32>
    %min3A_126 = arith.minimumf %slice3A_63, %slice3A_64 : vector<256x128xf32>
    %max3A_127 = arith.maximumf %slice3A_63, %slice3A_64 : vector<256x128xf32>
    %min3A_128 = arith.minimumf %slice3A_65, %slice3A_66 : vector<256x128xf32>
    %max3A_129 = arith.maximumf %slice3A_65, %slice3A_66 : vector<256x128xf32>
    %min3A_130 = arith.minimumf %slice3A_67, %slice3A_68 : vector<256x128xf32>
    %max3A_131 = arith.maximumf %slice3A_67, %slice3A_68 : vector<256x128xf32>
    %min3A_132 = arith.minimumf %slice3A_69, %slice3A_70 : vector<256x128xf32>
    %max3A_133 = arith.maximumf %slice3A_69, %slice3A_70 : vector<256x128xf32>
    %min3A_134 = arith.minimumf %slice3A_71, %slice3A_72 : vector<256x128xf32>
    %max3A_135 = arith.maximumf %slice3A_71, %slice3A_72 : vector<256x128xf32>
    %min3A_136 = arith.minimumf %slice3A_73, %slice3A_74 : vector<256x128xf32>
    %max3A_137 = arith.maximumf %slice3A_73, %slice3A_74 : vector<256x128xf32>
    %min3A_138 = arith.minimumf %slice3A_75, %slice3A_76 : vector<256x128xf32>
    %max3A_139 = arith.maximumf %slice3A_75, %slice3A_76 : vector<256x128xf32>
    %min3A_140 = arith.minimumf %slice3A_77, %slice3A_78 : vector<256x128xf32>
    %max3A_141 = arith.maximumf %slice3A_77, %slice3A_78 : vector<256x128xf32>
    %min3A_142 = arith.minimumf %slice3A_79, %slice3A_80 : vector<256x128xf32>
    %max3A_143 = arith.maximumf %slice3A_79, %slice3A_80 : vector<256x128xf32>
    %min3A_144 = arith.minimumf %slice3A_81, %slice3A_82 : vector<256x128xf32>
    %max3A_145 = arith.maximumf %slice3A_81, %slice3A_82 : vector<256x128xf32>
    %min3A_146 = arith.minimumf %slice3A_83, %slice3A_84 : vector<256x128xf32>
    %max3A_147 = arith.maximumf %slice3A_83, %slice3A_84 : vector<256x128xf32>
    %min3A_148 = arith.minimumf %slice3A_85, %slice3A_86 : vector<256x128xf32>
    %max3A_149 = arith.maximumf %slice3A_85, %slice3A_86 : vector<256x128xf32>
    %min3A_150 = arith.minimumf %slice3A_87, %slice3A_88 : vector<256x128xf32>
    %max3A_151 = arith.maximumf %slice3A_87, %slice3A_88 : vector<256x128xf32>
    %min3A_152 = arith.minimumf %slice3A_89, %slice3A_90 : vector<256x128xf32>
    %max3A_153 = arith.maximumf %slice3A_89, %slice3A_90 : vector<256x128xf32>
    %min3A_154 = arith.minimumf %slice3A_91, %slice3A_92 : vector<256x128xf32>
    %max3A_155 = arith.maximumf %slice3A_91, %slice3A_92 : vector<256x128xf32>
    %min3A_156 = arith.minimumf %slice3A_93, %slice3A_94 : vector<256x128xf32>
    %max3A_157 = arith.maximumf %slice3A_93, %slice3A_94 : vector<256x128xf32>
    %min3A_158 = arith.minimumf %min3A, %min3A_96 : vector<256x128xf32>
    %max3A_159 = arith.maximumf %min3A, %min3A_96 : vector<256x128xf32>
    %min3A_160 = arith.minimumf %max3A_95, %max3A_97 : vector<256x128xf32>
    %max3A_161 = arith.maximumf %max3A_95, %max3A_97 : vector<256x128xf32>
    %min3A_162 = arith.minimumf %max3A_159, %min3A_160 : vector<256x128xf32>
    %max3A_163 = arith.maximumf %max3A_159, %min3A_160 : vector<256x128xf32>
    %min3A_164 = arith.minimumf %min3A_98, %min3A_100 : vector<256x128xf32>
    %max3A_165 = arith.maximumf %min3A_98, %min3A_100 : vector<256x128xf32>
    %min3A_166 = arith.minimumf %max3A_99, %max3A_101 : vector<256x128xf32>
    %max3A_167 = arith.maximumf %max3A_99, %max3A_101 : vector<256x128xf32>
    %min3A_168 = arith.minimumf %max3A_165, %min3A_166 : vector<256x128xf32>
    %max3A_169 = arith.maximumf %max3A_165, %min3A_166 : vector<256x128xf32>
    %min3A_170 = arith.minimumf %min3A_102, %min3A_104 : vector<256x128xf32>
    %max3A_171 = arith.maximumf %min3A_102, %min3A_104 : vector<256x128xf32>
    %min3A_172 = arith.minimumf %max3A_103, %max3A_105 : vector<256x128xf32>
    %max3A_173 = arith.maximumf %max3A_103, %max3A_105 : vector<256x128xf32>
    %min3A_174 = arith.minimumf %max3A_171, %min3A_172 : vector<256x128xf32>
    %max3A_175 = arith.maximumf %max3A_171, %min3A_172 : vector<256x128xf32>
    %min3A_176 = arith.minimumf %min3A_106, %min3A_108 : vector<256x128xf32>
    %max3A_177 = arith.maximumf %min3A_106, %min3A_108 : vector<256x128xf32>
    %min3A_178 = arith.minimumf %max3A_107, %max3A_109 : vector<256x128xf32>
    %max3A_179 = arith.maximumf %max3A_107, %max3A_109 : vector<256x128xf32>
    %min3A_180 = arith.minimumf %max3A_177, %min3A_178 : vector<256x128xf32>
    %max3A_181 = arith.maximumf %max3A_177, %min3A_178 : vector<256x128xf32>
    %min3A_182 = arith.minimumf %min3A_110, %min3A_112 : vector<256x128xf32>
    %max3A_183 = arith.maximumf %min3A_110, %min3A_112 : vector<256x128xf32>
    %min3A_184 = arith.minimumf %max3A_111, %max3A_113 : vector<256x128xf32>
    %max3A_185 = arith.maximumf %max3A_111, %max3A_113 : vector<256x128xf32>
    %min3A_186 = arith.minimumf %max3A_183, %min3A_184 : vector<256x128xf32>
    %max3A_187 = arith.maximumf %max3A_183, %min3A_184 : vector<256x128xf32>
    %min3A_188 = arith.minimumf %min3A_114, %min3A_116 : vector<256x128xf32>
    %max3A_189 = arith.maximumf %min3A_114, %min3A_116 : vector<256x128xf32>
    %min3A_190 = arith.minimumf %max3A_115, %max3A_117 : vector<256x128xf32>
    %max3A_191 = arith.maximumf %max3A_115, %max3A_117 : vector<256x128xf32>
    %min3A_192 = arith.minimumf %max3A_189, %min3A_190 : vector<256x128xf32>
    %max3A_193 = arith.maximumf %max3A_189, %min3A_190 : vector<256x128xf32>
    %min3A_194 = arith.minimumf %min3A_118, %min3A_120 : vector<256x128xf32>
    %max3A_195 = arith.maximumf %min3A_118, %min3A_120 : vector<256x128xf32>
    %min3A_196 = arith.minimumf %max3A_119, %max3A_121 : vector<256x128xf32>
    %max3A_197 = arith.maximumf %max3A_119, %max3A_121 : vector<256x128xf32>
    %min3A_198 = arith.minimumf %max3A_195, %min3A_196 : vector<256x128xf32>
    %max3A_199 = arith.maximumf %max3A_195, %min3A_196 : vector<256x128xf32>
    %min3A_200 = arith.minimumf %min3A_122, %min3A_124 : vector<256x128xf32>
    %max3A_201 = arith.maximumf %min3A_122, %min3A_124 : vector<256x128xf32>
    %min3A_202 = arith.minimumf %max3A_123, %max3A_125 : vector<256x128xf32>
    %max3A_203 = arith.maximumf %max3A_123, %max3A_125 : vector<256x128xf32>
    %min3A_204 = arith.minimumf %max3A_201, %min3A_202 : vector<256x128xf32>
    %max3A_205 = arith.maximumf %max3A_201, %min3A_202 : vector<256x128xf32>
    %min3A_206 = arith.minimumf %min3A_126, %min3A_128 : vector<256x128xf32>
    %max3A_207 = arith.maximumf %min3A_126, %min3A_128 : vector<256x128xf32>
    %min3A_208 = arith.minimumf %max3A_127, %max3A_129 : vector<256x128xf32>
    %max3A_209 = arith.maximumf %max3A_127, %max3A_129 : vector<256x128xf32>
    %min3A_210 = arith.minimumf %max3A_207, %min3A_208 : vector<256x128xf32>
    %max3A_211 = arith.maximumf %max3A_207, %min3A_208 : vector<256x128xf32>
    %min3A_212 = arith.minimumf %min3A_130, %min3A_132 : vector<256x128xf32>
    %max3A_213 = arith.maximumf %min3A_130, %min3A_132 : vector<256x128xf32>
    %min3A_214 = arith.minimumf %max3A_131, %max3A_133 : vector<256x128xf32>
    %max3A_215 = arith.maximumf %max3A_131, %max3A_133 : vector<256x128xf32>
    %min3A_216 = arith.minimumf %max3A_213, %min3A_214 : vector<256x128xf32>
    %max3A_217 = arith.maximumf %max3A_213, %min3A_214 : vector<256x128xf32>
    %min3A_218 = arith.minimumf %min3A_134, %min3A_136 : vector<256x128xf32>
    %max3A_219 = arith.maximumf %min3A_134, %min3A_136 : vector<256x128xf32>
    %min3A_220 = arith.minimumf %max3A_135, %max3A_137 : vector<256x128xf32>
    %max3A_221 = arith.maximumf %max3A_135, %max3A_137 : vector<256x128xf32>
    %min3A_222 = arith.minimumf %max3A_219, %min3A_220 : vector<256x128xf32>
    %max3A_223 = arith.maximumf %max3A_219, %min3A_220 : vector<256x128xf32>
    %min3A_224 = arith.minimumf %min3A_138, %min3A_140 : vector<256x128xf32>
    %max3A_225 = arith.maximumf %min3A_138, %min3A_140 : vector<256x128xf32>
    %min3A_226 = arith.minimumf %max3A_139, %max3A_141 : vector<256x128xf32>
    %max3A_227 = arith.maximumf %max3A_139, %max3A_141 : vector<256x128xf32>
    %min3A_228 = arith.minimumf %max3A_225, %min3A_226 : vector<256x128xf32>
    %max3A_229 = arith.maximumf %max3A_225, %min3A_226 : vector<256x128xf32>
    %min3A_230 = arith.minimumf %min3A_142, %min3A_144 : vector<256x128xf32>
    %max3A_231 = arith.maximumf %min3A_142, %min3A_144 : vector<256x128xf32>
    %min3A_232 = arith.minimumf %max3A_143, %max3A_145 : vector<256x128xf32>
    %max3A_233 = arith.maximumf %max3A_143, %max3A_145 : vector<256x128xf32>
    %min3A_234 = arith.minimumf %max3A_231, %min3A_232 : vector<256x128xf32>
    %max3A_235 = arith.maximumf %max3A_231, %min3A_232 : vector<256x128xf32>
    %min3A_236 = arith.minimumf %min3A_146, %min3A_148 : vector<256x128xf32>
    %max3A_237 = arith.maximumf %min3A_146, %min3A_148 : vector<256x128xf32>
    %min3A_238 = arith.minimumf %max3A_147, %max3A_149 : vector<256x128xf32>
    %max3A_239 = arith.maximumf %max3A_147, %max3A_149 : vector<256x128xf32>
    %min3A_240 = arith.minimumf %max3A_237, %min3A_238 : vector<256x128xf32>
    %max3A_241 = arith.maximumf %max3A_237, %min3A_238 : vector<256x128xf32>
    %min3A_242 = arith.minimumf %min3A_150, %min3A_152 : vector<256x128xf32>
    %max3A_243 = arith.maximumf %min3A_150, %min3A_152 : vector<256x128xf32>
    %min3A_244 = arith.minimumf %max3A_151, %max3A_153 : vector<256x128xf32>
    %max3A_245 = arith.maximumf %max3A_151, %max3A_153 : vector<256x128xf32>
    %min3A_246 = arith.minimumf %max3A_243, %min3A_244 : vector<256x128xf32>
    %max3A_247 = arith.maximumf %max3A_243, %min3A_244 : vector<256x128xf32>
    %min3A_248 = arith.minimumf %min3A_154, %min3A_156 : vector<256x128xf32>
    %max3A_249 = arith.maximumf %min3A_154, %min3A_156 : vector<256x128xf32>
    %min3A_250 = arith.minimumf %max3A_155, %max3A_157 : vector<256x128xf32>
    %max3A_251 = arith.maximumf %max3A_155, %max3A_157 : vector<256x128xf32>
    %min3A_252 = arith.minimumf %max3A_249, %min3A_250 : vector<256x128xf32>
    %max3A_253 = arith.maximumf %max3A_249, %min3A_250 : vector<256x128xf32>
    %min3A_254 = arith.minimumf %min3A_158, %max3A_167 : vector<256x128xf32>
    %min3A_255 = arith.minimumf %min3A_162, %max3A_169 : vector<256x128xf32>
    %min3A_256 = arith.minimumf %max3A_163, %min3A_168 : vector<256x128xf32>
    %min3A_257 = arith.minimumf %max3A_161, %min3A_164 : vector<256x128xf32>
    %min3A_258 = arith.minimumf %min3A_254, %min3A_256 : vector<256x128xf32>
    %max3A_259 = arith.maximumf %min3A_254, %min3A_256 : vector<256x128xf32>
    %min3A_260 = arith.minimumf %min3A_255, %min3A_257 : vector<256x128xf32>
    %max3A_261 = arith.maximumf %min3A_255, %min3A_257 : vector<256x128xf32>
    %min3A_262 = arith.minimumf %min3A_258, %min3A_260 : vector<256x128xf32>
    %max3A_263 = arith.maximumf %min3A_258, %min3A_260 : vector<256x128xf32>
    %min3A_264 = arith.minimumf %max3A_259, %max3A_261 : vector<256x128xf32>
    %max3A_265 = arith.maximumf %max3A_259, %max3A_261 : vector<256x128xf32>
    %min3A_266 = arith.minimumf %min3A_170, %max3A_179 : vector<256x128xf32>
    %min3A_267 = arith.minimumf %min3A_174, %max3A_181 : vector<256x128xf32>
    %min3A_268 = arith.minimumf %max3A_175, %min3A_180 : vector<256x128xf32>
    %min3A_269 = arith.minimumf %max3A_173, %min3A_176 : vector<256x128xf32>
    %min3A_270 = arith.minimumf %min3A_266, %min3A_268 : vector<256x128xf32>
    %max3A_271 = arith.maximumf %min3A_266, %min3A_268 : vector<256x128xf32>
    %min3A_272 = arith.minimumf %min3A_267, %min3A_269 : vector<256x128xf32>
    %max3A_273 = arith.maximumf %min3A_267, %min3A_269 : vector<256x128xf32>
    %min3A_274 = arith.minimumf %min3A_270, %min3A_272 : vector<256x128xf32>
    %max3A_275 = arith.maximumf %min3A_270, %min3A_272 : vector<256x128xf32>
    %min3A_276 = arith.minimumf %max3A_271, %max3A_273 : vector<256x128xf32>
    %max3A_277 = arith.maximumf %max3A_271, %max3A_273 : vector<256x128xf32>
    %min3A_278 = arith.minimumf %min3A_182, %max3A_191 : vector<256x128xf32>
    %min3A_279 = arith.minimumf %min3A_186, %max3A_193 : vector<256x128xf32>
    %min3A_280 = arith.minimumf %max3A_187, %min3A_192 : vector<256x128xf32>
    %min3A_281 = arith.minimumf %max3A_185, %min3A_188 : vector<256x128xf32>
    %min3A_282 = arith.minimumf %min3A_278, %min3A_280 : vector<256x128xf32>
    %max3A_283 = arith.maximumf %min3A_278, %min3A_280 : vector<256x128xf32>
    %min3A_284 = arith.minimumf %min3A_279, %min3A_281 : vector<256x128xf32>
    %max3A_285 = arith.maximumf %min3A_279, %min3A_281 : vector<256x128xf32>
    %min3A_286 = arith.minimumf %min3A_282, %min3A_284 : vector<256x128xf32>
    %max3A_287 = arith.maximumf %min3A_282, %min3A_284 : vector<256x128xf32>
    %min3A_288 = arith.minimumf %max3A_283, %max3A_285 : vector<256x128xf32>
    %max3A_289 = arith.maximumf %max3A_283, %max3A_285 : vector<256x128xf32>
    %min3A_290 = arith.minimumf %min3A_194, %max3A_203 : vector<256x128xf32>
    %min3A_291 = arith.minimumf %min3A_198, %max3A_205 : vector<256x128xf32>
    %min3A_292 = arith.minimumf %max3A_199, %min3A_204 : vector<256x128xf32>
    %min3A_293 = arith.minimumf %max3A_197, %min3A_200 : vector<256x128xf32>
    %min3A_294 = arith.minimumf %min3A_290, %min3A_292 : vector<256x128xf32>
    %max3A_295 = arith.maximumf %min3A_290, %min3A_292 : vector<256x128xf32>
    %min3A_296 = arith.minimumf %min3A_291, %min3A_293 : vector<256x128xf32>
    %max3A_297 = arith.maximumf %min3A_291, %min3A_293 : vector<256x128xf32>
    %min3A_298 = arith.minimumf %min3A_294, %min3A_296 : vector<256x128xf32>
    %max3A_299 = arith.maximumf %min3A_294, %min3A_296 : vector<256x128xf32>
    %min3A_300 = arith.minimumf %max3A_295, %max3A_297 : vector<256x128xf32>
    %max3A_301 = arith.maximumf %max3A_295, %max3A_297 : vector<256x128xf32>
    %min3A_302 = arith.minimumf %min3A_206, %max3A_215 : vector<256x128xf32>
    %min3A_303 = arith.minimumf %min3A_210, %max3A_217 : vector<256x128xf32>
    %min3A_304 = arith.minimumf %max3A_211, %min3A_216 : vector<256x128xf32>
    %min3A_305 = arith.minimumf %max3A_209, %min3A_212 : vector<256x128xf32>
    %min3A_306 = arith.minimumf %min3A_302, %min3A_304 : vector<256x128xf32>
    %max3A_307 = arith.maximumf %min3A_302, %min3A_304 : vector<256x128xf32>
    %min3A_308 = arith.minimumf %min3A_303, %min3A_305 : vector<256x128xf32>
    %max3A_309 = arith.maximumf %min3A_303, %min3A_305 : vector<256x128xf32>
    %min3A_310 = arith.minimumf %min3A_306, %min3A_308 : vector<256x128xf32>
    %max3A_311 = arith.maximumf %min3A_306, %min3A_308 : vector<256x128xf32>
    %min3A_312 = arith.minimumf %max3A_307, %max3A_309 : vector<256x128xf32>
    %max3A_313 = arith.maximumf %max3A_307, %max3A_309 : vector<256x128xf32>
    %min3A_314 = arith.minimumf %min3A_218, %max3A_227 : vector<256x128xf32>
    %min3A_315 = arith.minimumf %min3A_222, %max3A_229 : vector<256x128xf32>
    %min3A_316 = arith.minimumf %max3A_223, %min3A_228 : vector<256x128xf32>
    %min3A_317 = arith.minimumf %max3A_221, %min3A_224 : vector<256x128xf32>
    %min3A_318 = arith.minimumf %min3A_314, %min3A_316 : vector<256x128xf32>
    %max3A_319 = arith.maximumf %min3A_314, %min3A_316 : vector<256x128xf32>
    %min3A_320 = arith.minimumf %min3A_315, %min3A_317 : vector<256x128xf32>
    %max3A_321 = arith.maximumf %min3A_315, %min3A_317 : vector<256x128xf32>
    %min3A_322 = arith.minimumf %min3A_318, %min3A_320 : vector<256x128xf32>
    %max3A_323 = arith.maximumf %min3A_318, %min3A_320 : vector<256x128xf32>
    %min3A_324 = arith.minimumf %max3A_319, %max3A_321 : vector<256x128xf32>
    %max3A_325 = arith.maximumf %max3A_319, %max3A_321 : vector<256x128xf32>
    %min3A_326 = arith.minimumf %min3A_230, %max3A_239 : vector<256x128xf32>
    %min3A_327 = arith.minimumf %min3A_234, %max3A_241 : vector<256x128xf32>
    %min3A_328 = arith.minimumf %max3A_235, %min3A_240 : vector<256x128xf32>
    %min3A_329 = arith.minimumf %max3A_233, %min3A_236 : vector<256x128xf32>
    %min3A_330 = arith.minimumf %min3A_326, %min3A_328 : vector<256x128xf32>
    %max3A_331 = arith.maximumf %min3A_326, %min3A_328 : vector<256x128xf32>
    %min3A_332 = arith.minimumf %min3A_327, %min3A_329 : vector<256x128xf32>
    %max3A_333 = arith.maximumf %min3A_327, %min3A_329 : vector<256x128xf32>
    %min3A_334 = arith.minimumf %min3A_330, %min3A_332 : vector<256x128xf32>
    %max3A_335 = arith.maximumf %min3A_330, %min3A_332 : vector<256x128xf32>
    %min3A_336 = arith.minimumf %max3A_331, %max3A_333 : vector<256x128xf32>
    %max3A_337 = arith.maximumf %max3A_331, %max3A_333 : vector<256x128xf32>
    %min3A_338 = arith.minimumf %min3A_242, %max3A_251 : vector<256x128xf32>
    %min3A_339 = arith.minimumf %min3A_246, %max3A_253 : vector<256x128xf32>
    %min3A_340 = arith.minimumf %max3A_247, %min3A_252 : vector<256x128xf32>
    %min3A_341 = arith.minimumf %max3A_245, %min3A_248 : vector<256x128xf32>
    %min3A_342 = arith.minimumf %min3A_338, %min3A_340 : vector<256x128xf32>
    %max3A_343 = arith.maximumf %min3A_338, %min3A_340 : vector<256x128xf32>
    %min3A_344 = arith.minimumf %min3A_339, %min3A_341 : vector<256x128xf32>
    %max3A_345 = arith.maximumf %min3A_339, %min3A_341 : vector<256x128xf32>
    %min3A_346 = arith.minimumf %min3A_342, %min3A_344 : vector<256x128xf32>
    %max3A_347 = arith.maximumf %min3A_342, %min3A_344 : vector<256x128xf32>
    %min3A_348 = arith.minimumf %max3A_343, %max3A_345 : vector<256x128xf32>
    %max3A_349 = arith.maximumf %max3A_343, %max3A_345 : vector<256x128xf32>
    %min3A_350 = arith.minimumf %min3A_262, %max3A_277 : vector<256x128xf32>
    %min3A_351 = arith.minimumf %max3A_263, %min3A_276 : vector<256x128xf32>
    %min3A_352 = arith.minimumf %min3A_264, %max3A_275 : vector<256x128xf32>
    %min3A_353 = arith.minimumf %max3A_265, %min3A_274 : vector<256x128xf32>
    %min3A_354 = arith.minimumf %min3A_350, %min3A_352 : vector<256x128xf32>
    %max3A_355 = arith.maximumf %min3A_350, %min3A_352 : vector<256x128xf32>
    %min3A_356 = arith.minimumf %min3A_351, %min3A_353 : vector<256x128xf32>
    %max3A_357 = arith.maximumf %min3A_351, %min3A_353 : vector<256x128xf32>
    %min3A_358 = arith.minimumf %min3A_354, %min3A_356 : vector<256x128xf32>
    %max3A_359 = arith.maximumf %min3A_354, %min3A_356 : vector<256x128xf32>
    %min3A_360 = arith.minimumf %max3A_355, %max3A_357 : vector<256x128xf32>
    %max3A_361 = arith.maximumf %max3A_355, %max3A_357 : vector<256x128xf32>
    %min3A_362 = arith.minimumf %min3A_286, %max3A_301 : vector<256x128xf32>
    %min3A_363 = arith.minimumf %max3A_287, %min3A_300 : vector<256x128xf32>
    %min3A_364 = arith.minimumf %min3A_288, %max3A_299 : vector<256x128xf32>
    %min3A_365 = arith.minimumf %max3A_289, %min3A_298 : vector<256x128xf32>
    %min3A_366 = arith.minimumf %min3A_362, %min3A_364 : vector<256x128xf32>
    %max3A_367 = arith.maximumf %min3A_362, %min3A_364 : vector<256x128xf32>
    %min3A_368 = arith.minimumf %min3A_363, %min3A_365 : vector<256x128xf32>
    %max3A_369 = arith.maximumf %min3A_363, %min3A_365 : vector<256x128xf32>
    %min3A_370 = arith.minimumf %min3A_366, %min3A_368 : vector<256x128xf32>
    %max3A_371 = arith.maximumf %min3A_366, %min3A_368 : vector<256x128xf32>
    %min3A_372 = arith.minimumf %max3A_367, %max3A_369 : vector<256x128xf32>
    %max3A_373 = arith.maximumf %max3A_367, %max3A_369 : vector<256x128xf32>
    %min3A_374 = arith.minimumf %min3A_310, %max3A_325 : vector<256x128xf32>
    %min3A_375 = arith.minimumf %max3A_311, %min3A_324 : vector<256x128xf32>
    %min3A_376 = arith.minimumf %min3A_312, %max3A_323 : vector<256x128xf32>
    %min3A_377 = arith.minimumf %max3A_313, %min3A_322 : vector<256x128xf32>
    %min3A_378 = arith.minimumf %min3A_374, %min3A_376 : vector<256x128xf32>
    %max3A_379 = arith.maximumf %min3A_374, %min3A_376 : vector<256x128xf32>
    %min3A_380 = arith.minimumf %min3A_375, %min3A_377 : vector<256x128xf32>
    %max3A_381 = arith.maximumf %min3A_375, %min3A_377 : vector<256x128xf32>
    %min3A_382 = arith.minimumf %min3A_378, %min3A_380 : vector<256x128xf32>
    %max3A_383 = arith.maximumf %min3A_378, %min3A_380 : vector<256x128xf32>
    %min3A_384 = arith.minimumf %max3A_379, %max3A_381 : vector<256x128xf32>
    %max3A_385 = arith.maximumf %max3A_379, %max3A_381 : vector<256x128xf32>
    %min3A_386 = arith.minimumf %min3A_334, %max3A_349 : vector<256x128xf32>
    %min3A_387 = arith.minimumf %max3A_335, %min3A_348 : vector<256x128xf32>
    %min3A_388 = arith.minimumf %min3A_336, %max3A_347 : vector<256x128xf32>
    %min3A_389 = arith.minimumf %max3A_337, %min3A_346 : vector<256x128xf32>
    %min3A_390 = arith.minimumf %min3A_386, %min3A_388 : vector<256x128xf32>
    %max3A_391 = arith.maximumf %min3A_386, %min3A_388 : vector<256x128xf32>
    %min3A_392 = arith.minimumf %min3A_387, %min3A_389 : vector<256x128xf32>
    %max3A_393 = arith.maximumf %min3A_387, %min3A_389 : vector<256x128xf32>
    %min3A_394 = arith.minimumf %min3A_390, %min3A_392 : vector<256x128xf32>
    %max3A_395 = arith.maximumf %min3A_390, %min3A_392 : vector<256x128xf32>
    %min3A_396 = arith.minimumf %max3A_391, %max3A_393 : vector<256x128xf32>
    %max3A_397 = arith.maximumf %max3A_391, %max3A_393 : vector<256x128xf32>
    %min3A_398 = arith.minimumf %min3A_358, %max3A_373 : vector<256x128xf32>
    %min3A_399 = arith.minimumf %max3A_359, %min3A_372 : vector<256x128xf32>
    %min3A_400 = arith.minimumf %min3A_360, %max3A_371 : vector<256x128xf32>
    %min3A_401 = arith.minimumf %max3A_361, %min3A_370 : vector<256x128xf32>
    %min3A_402 = arith.minimumf %min3A_398, %min3A_400 : vector<256x128xf32>
    %max3A_403 = arith.maximumf %min3A_398, %min3A_400 : vector<256x128xf32>
    %min3A_404 = arith.minimumf %min3A_399, %min3A_401 : vector<256x128xf32>
    %max3A_405 = arith.maximumf %min3A_399, %min3A_401 : vector<256x128xf32>
    %min3A_406 = arith.minimumf %min3A_402, %min3A_404 : vector<256x128xf32>
    %max3A_407 = arith.maximumf %min3A_402, %min3A_404 : vector<256x128xf32>
    %min3A_408 = arith.minimumf %max3A_403, %max3A_405 : vector<256x128xf32>
    %max3A_409 = arith.maximumf %max3A_403, %max3A_405 : vector<256x128xf32>
    %min3A_410 = arith.minimumf %min3A_382, %max3A_397 : vector<256x128xf32>
    %min3A_411 = arith.minimumf %max3A_383, %min3A_396 : vector<256x128xf32>
    %min3A_412 = arith.minimumf %min3A_384, %max3A_395 : vector<256x128xf32>
    %min3A_413 = arith.minimumf %max3A_385, %min3A_394 : vector<256x128xf32>
    %min3A_414 = arith.minimumf %min3A_410, %min3A_412 : vector<256x128xf32>
    %max3A_415 = arith.maximumf %min3A_410, %min3A_412 : vector<256x128xf32>
    %min3A_416 = arith.minimumf %min3A_411, %min3A_413 : vector<256x128xf32>
    %max3A_417 = arith.maximumf %min3A_411, %min3A_413 : vector<256x128xf32>
    %min3A_418 = arith.minimumf %min3A_414, %min3A_416 : vector<256x128xf32>
    %max3A_419 = arith.maximumf %min3A_414, %min3A_416 : vector<256x128xf32>
    %min3A_420 = arith.minimumf %max3A_415, %max3A_417 : vector<256x128xf32>
    %max3A_421 = arith.maximumf %max3A_415, %max3A_417 : vector<256x128xf32>
    %min3A_422 = arith.minimumf %min3A_406, %max3A_421 : vector<256x128xf32>
    %min3A_423 = arith.minimumf %max3A_407, %min3A_420 : vector<256x128xf32>
    %min3A_424 = arith.minimumf %min3A_408, %max3A_419 : vector<256x128xf32>
    %min3A_425 = arith.minimumf %max3A_409, %min3A_418 : vector<256x128xf32>
    %min3A_426 = arith.minimumf %min3A_422, %min3A_424 : vector<256x128xf32>
    %max3A_427 = arith.maximumf %min3A_422, %min3A_424 : vector<256x128xf32>
    %min3A_428 = arith.minimumf %min3A_423, %min3A_425 : vector<256x128xf32>
    %max3A_429 = arith.maximumf %min3A_423, %min3A_425 : vector<256x128xf32>
    %min3A_430 = arith.minimumf %min3A_426, %min3A_428 : vector<256x128xf32>
    %max3A_431 = arith.maximumf %min3A_426, %min3A_428 : vector<256x128xf32>
    %min3A_432 = arith.minimumf %max3A_427, %max3A_429 : vector<256x128xf32>
    %max3A_433 = arith.maximumf %max3A_427, %max3A_429 : vector<256x128xf32>
    %le3A = arith.cmpf ole, %slice3A_31, %max3A_433 : vector<256x128xf32>
    %jit3A = arith.constant 0x7F800000 : f32
    %broadcast_in_dim3A_434 = vector.broadcast %jit3A : f32 to vector<256x128xf32>
    %select_n3A = arith.select %le3A, %broadcast_in_dim3A_434, %slice3A_31 : vector<256x128xi1>, vector<256x128xf32>
    %le3A_435 = arith.cmpf ole, %slice3A_32, %max3A_433 : vector<256x128xf32>
    %jit3A_436 = arith.constant 0x7F800000 : f32
    %broadcast_in_dim3A_437 = vector.broadcast %jit3A_436 : f32 to vector<256x128xf32>
    %select_n3A_438 = arith.select %le3A_435, %broadcast_in_dim3A_437, %slice3A_32 : vector<256x128xi1>, vector<256x128xf32>
    %le3A_439 = arith.cmpf ole, %slice3A_33, %max3A_433 : vector<256x128xf32>
    %jit3A_440 = arith.constant 0x7F800000 : f32
    %broadcast_in_dim3A_441 = vector.broadcast %jit3A_440 : f32 to vector<256x128xf32>
    %select_n3A_442 = arith.select %le3A_439, %broadcast_in_dim3A_441, %slice3A_33 : vector<256x128xi1>, vector<256x128xf32>
    %le3A_443 = arith.cmpf ole, %slice3A_34, %max3A_433 : vector<256x128xf32>
    %jit3A_444 = arith.constant 0x7F800000 : f32
    %broadcast_in_dim3A_445 = vector.broadcast %jit3A_444 : f32 to vector<256x128xf32>
    %select_n3A_446 = arith.select %le3A_443, %broadcast_in_dim3A_445, %slice3A_34 : vector<256x128xi1>, vector<256x128xf32>
    %le3A_447 = arith.cmpf ole, %slice3A_35, %max3A_433 : vector<256x128xf32>
    %jit3A_448 = arith.constant 0x7F800000 : f32
    %broadcast_in_dim3A_449 = vector.broadcast %jit3A_448 : f32 to vector<256x128xf32>
    %select_n3A_450 = arith.select %le3A_447, %broadcast_in_dim3A_449, %slice3A_35 : vector<256x128xi1>, vector<256x128xf32>
    %le3A_451 = arith.cmpf ole, %slice3A_36, %max3A_433 : vector<256x128xf32>
    %jit3A_452 = arith.constant 0x7F800000 : f32
    %broadcast_in_dim3A_453 = vector.broadcast %jit3A_452 : f32 to vector<256x128xf32>
    %select_n3A_454 = arith.select %le3A_451, %broadcast_in_dim3A_453, %slice3A_36 : vector<256x128xi1>, vector<256x128xf32>
    %le3A_455 = arith.cmpf ole, %slice3A_37, %max3A_433 : vector<256x128xf32>
    %jit3A_456 = arith.constant 0x7F800000 : f32
    %broadcast_in_dim3A_457 = vector.broadcast %jit3A_456 : f32 to vector<256x128xf32>
    %select_n3A_458 = arith.select %le3A_455, %broadcast_in_dim3A_457, %slice3A_37 : vector<256x128xi1>, vector<256x128xf32>
    %le3A_459 = arith.cmpf ole, %slice3A_38, %max3A_433 : vector<256x128xf32>
    %jit3A_460 = arith.constant 0x7F800000 : f32
    %broadcast_in_dim3A_461 = vector.broadcast %jit3A_460 : f32 to vector<256x128xf32>
    %select_n3A_462 = arith.select %le3A_459, %broadcast_in_dim3A_461, %slice3A_38 : vector<256x128xi1>, vector<256x128xf32>
    %le3A_463 = arith.cmpf ole, %slice3A_39, %max3A_433 : vector<256x128xf32>
    %jit3A_464 = arith.constant 0x7F800000 : f32
    %broadcast_in_dim3A_465 = vector.broadcast %jit3A_464 : f32 to vector<256x128xf32>
    %select_n3A_466 = arith.select %le3A_463, %broadcast_in_dim3A_465, %slice3A_39 : vector<256x128xi1>, vector<256x128xf32>
    %le3A_467 = arith.cmpf ole, %slice3A_40, %max3A_433 : vector<256x128xf32>
    %jit3A_468 = arith.constant 0x7F800000 : f32
    %broadcast_in_dim3A_469 = vector.broadcast %jit3A_468 : f32 to vector<256x128xf32>
    %select_n3A_470 = arith.select %le3A_467, %broadcast_in_dim3A_469, %slice3A_40 : vector<256x128xi1>, vector<256x128xf32>
    %le3A_471 = arith.cmpf ole, %slice3A_41, %max3A_433 : vector<256x128xf32>
    %jit3A_472 = arith.constant 0x7F800000 : f32
    %broadcast_in_dim3A_473 = vector.broadcast %jit3A_472 : f32 to vector<256x128xf32>
    %select_n3A_474 = arith.select %le3A_471, %broadcast_in_dim3A_473, %slice3A_41 : vector<256x128xi1>, vector<256x128xf32>
    %le3A_475 = arith.cmpf ole, %slice3A_42, %max3A_433 : vector<256x128xf32>
    %jit3A_476 = arith.constant 0x7F800000 : f32
    %broadcast_in_dim3A_477 = vector.broadcast %jit3A_476 : f32 to vector<256x128xf32>
    %select_n3A_478 = arith.select %le3A_475, %broadcast_in_dim3A_477, %slice3A_42 : vector<256x128xi1>, vector<256x128xf32>
    %le3A_479 = arith.cmpf ole, %slice3A_43, %max3A_433 : vector<256x128xf32>
    %jit3A_480 = arith.constant 0x7F800000 : f32
    %broadcast_in_dim3A_481 = vector.broadcast %jit3A_480 : f32 to vector<256x128xf32>
    %select_n3A_482 = arith.select %le3A_479, %broadcast_in_dim3A_481, %slice3A_43 : vector<256x128xi1>, vector<256x128xf32>
    %le3A_483 = arith.cmpf ole, %slice3A_44, %max3A_433 : vector<256x128xf32>
    %jit3A_484 = arith.constant 0x7F800000 : f32
    %broadcast_in_dim3A_485 = vector.broadcast %jit3A_484 : f32 to vector<256x128xf32>
    %select_n3A_486 = arith.select %le3A_483, %broadcast_in_dim3A_485, %slice3A_44 : vector<256x128xi1>, vector<256x128xf32>
    %le3A_487 = arith.cmpf ole, %slice3A_45, %max3A_433 : vector<256x128xf32>
    %jit3A_488 = arith.constant 0x7F800000 : f32
    %broadcast_in_dim3A_489 = vector.broadcast %jit3A_488 : f32 to vector<256x128xf32>
    %select_n3A_490 = arith.select %le3A_487, %broadcast_in_dim3A_489, %slice3A_45 : vector<256x128xi1>, vector<256x128xf32>
    %le3A_491 = arith.cmpf ole, %slice3A_46, %max3A_433 : vector<256x128xf32>
    %jit3A_492 = arith.constant 0x7F800000 : f32
    %broadcast_in_dim3A_493 = vector.broadcast %jit3A_492 : f32 to vector<256x128xf32>
    %select_n3A_494 = arith.select %le3A_491, %broadcast_in_dim3A_493, %slice3A_46 : vector<256x128xi1>, vector<256x128xf32>
    %le3A_495 = arith.cmpf ole, %slice3A_47, %max3A_433 : vector<256x128xf32>
    %jit3A_496 = arith.constant 0x7F800000 : f32
    %broadcast_in_dim3A_497 = vector.broadcast %jit3A_496 : f32 to vector<256x128xf32>
    %select_n3A_498 = arith.select %le3A_495, %broadcast_in_dim3A_497, %slice3A_47 : vector<256x128xi1>, vector<256x128xf32>
    %le3A_499 = arith.cmpf ole, %slice3A_48, %max3A_433 : vector<256x128xf32>
    %jit3A_500 = arith.constant 0x7F800000 : f32
    %broadcast_in_dim3A_501 = vector.broadcast %jit3A_500 : f32 to vector<256x128xf32>
    %select_n3A_502 = arith.select %le3A_499, %broadcast_in_dim3A_501, %slice3A_48 : vector<256x128xi1>, vector<256x128xf32>
    %le3A_503 = arith.cmpf ole, %slice3A_49, %max3A_433 : vector<256x128xf32>
    %jit3A_504 = arith.constant 0x7F800000 : f32
    %broadcast_in_dim3A_505 = vector.broadcast %jit3A_504 : f32 to vector<256x128xf32>
    %select_n3A_506 = arith.select %le3A_503, %broadcast_in_dim3A_505, %slice3A_49 : vector<256x128xi1>, vector<256x128xf32>
    %le3A_507 = arith.cmpf ole, %slice3A_50, %max3A_433 : vector<256x128xf32>
    %jit3A_508 = arith.constant 0x7F800000 : f32
    %broadcast_in_dim3A_509 = vector.broadcast %jit3A_508 : f32 to vector<256x128xf32>
    %select_n3A_510 = arith.select %le3A_507, %broadcast_in_dim3A_509, %slice3A_50 : vector<256x128xi1>, vector<256x128xf32>
    %le3A_511 = arith.cmpf ole, %slice3A_51, %max3A_433 : vector<256x128xf32>
    %jit3A_512 = arith.constant 0x7F800000 : f32
    %broadcast_in_dim3A_513 = vector.broadcast %jit3A_512 : f32 to vector<256x128xf32>
    %select_n3A_514 = arith.select %le3A_511, %broadcast_in_dim3A_513, %slice3A_51 : vector<256x128xi1>, vector<256x128xf32>
    %le3A_515 = arith.cmpf ole, %slice3A_52, %max3A_433 : vector<256x128xf32>
    %jit3A_516 = arith.constant 0x7F800000 : f32
    %broadcast_in_dim3A_517 = vector.broadcast %jit3A_516 : f32 to vector<256x128xf32>
    %select_n3A_518 = arith.select %le3A_515, %broadcast_in_dim3A_517, %slice3A_52 : vector<256x128xi1>, vector<256x128xf32>
    %le3A_519 = arith.cmpf ole, %slice3A_53, %max3A_433 : vector<256x128xf32>
    %jit3A_520 = arith.constant 0x7F800000 : f32
    %broadcast_in_dim3A_521 = vector.broadcast %jit3A_520 : f32 to vector<256x128xf32>
    %select_n3A_522 = arith.select %le3A_519, %broadcast_in_dim3A_521, %slice3A_53 : vector<256x128xi1>, vector<256x128xf32>
    %le3A_523 = arith.cmpf ole, %slice3A_54, %max3A_433 : vector<256x128xf32>
    %jit3A_524 = arith.constant 0x7F800000 : f32
    %broadcast_in_dim3A_525 = vector.broadcast %jit3A_524 : f32 to vector<256x128xf32>
    %select_n3A_526 = arith.select %le3A_523, %broadcast_in_dim3A_525, %slice3A_54 : vector<256x128xi1>, vector<256x128xf32>
    %le3A_527 = arith.cmpf ole, %slice3A_55, %max3A_433 : vector<256x128xf32>
    %jit3A_528 = arith.constant 0x7F800000 : f32
    %broadcast_in_dim3A_529 = vector.broadcast %jit3A_528 : f32 to vector<256x128xf32>
    %select_n3A_530 = arith.select %le3A_527, %broadcast_in_dim3A_529, %slice3A_55 : vector<256x128xi1>, vector<256x128xf32>
    %le3A_531 = arith.cmpf ole, %slice3A_56, %max3A_433 : vector<256x128xf32>
    %jit3A_532 = arith.constant 0x7F800000 : f32
    %broadcast_in_dim3A_533 = vector.broadcast %jit3A_532 : f32 to vector<256x128xf32>
    %select_n3A_534 = arith.select %le3A_531, %broadcast_in_dim3A_533, %slice3A_56 : vector<256x128xi1>, vector<256x128xf32>
    %le3A_535 = arith.cmpf ole, %slice3A_57, %max3A_433 : vector<256x128xf32>
    %jit3A_536 = arith.constant 0x7F800000 : f32
    %broadcast_in_dim3A_537 = vector.broadcast %jit3A_536 : f32 to vector<256x128xf32>
    %select_n3A_538 = arith.select %le3A_535, %broadcast_in_dim3A_537, %slice3A_57 : vector<256x128xi1>, vector<256x128xf32>
    %le3A_539 = arith.cmpf ole, %slice3A_58, %max3A_433 : vector<256x128xf32>
    %jit3A_540 = arith.constant 0x7F800000 : f32
    %broadcast_in_dim3A_541 = vector.broadcast %jit3A_540 : f32 to vector<256x128xf32>
    %select_n3A_542 = arith.select %le3A_539, %broadcast_in_dim3A_541, %slice3A_58 : vector<256x128xi1>, vector<256x128xf32>
    %le3A_543 = arith.cmpf ole, %slice3A_59, %max3A_433 : vector<256x128xf32>
    %jit3A_544 = arith.constant 0x7F800000 : f32
    %broadcast_in_dim3A_545 = vector.broadcast %jit3A_544 : f32 to vector<256x128xf32>
    %select_n3A_546 = arith.select %le3A_543, %broadcast_in_dim3A_545, %slice3A_59 : vector<256x128xi1>, vector<256x128xf32>
    %le3A_547 = arith.cmpf ole, %slice3A_60, %max3A_433 : vector<256x128xf32>
    %jit3A_548 = arith.constant 0x7F800000 : f32
    %broadcast_in_dim3A_549 = vector.broadcast %jit3A_548 : f32 to vector<256x128xf32>
    %select_n3A_550 = arith.select %le3A_547, %broadcast_in_dim3A_549, %slice3A_60 : vector<256x128xi1>, vector<256x128xf32>
    %le3A_551 = arith.cmpf ole, %slice3A_61, %max3A_433 : vector<256x128xf32>
    %jit3A_552 = arith.constant 0x7F800000 : f32
    %broadcast_in_dim3A_553 = vector.broadcast %jit3A_552 : f32 to vector<256x128xf32>
    %select_n3A_554 = arith.select %le3A_551, %broadcast_in_dim3A_553, %slice3A_61 : vector<256x128xi1>, vector<256x128xf32>
    %le3A_555 = arith.cmpf ole, %slice3A_62, %max3A_433 : vector<256x128xf32>
    %jit3A_556 = arith.constant 0x7F800000 : f32
    %broadcast_in_dim3A_557 = vector.broadcast %jit3A_556 : f32 to vector<256x128xf32>
    %select_n3A_558 = arith.select %le3A_555, %broadcast_in_dim3A_557, %slice3A_62 : vector<256x128xi1>, vector<256x128xf32>
    %le3A_559 = arith.cmpf ole, %slice3A_63, %max3A_433 : vector<256x128xf32>
    %jit3A_560 = arith.constant 0x7F800000 : f32
    %broadcast_in_dim3A_561 = vector.broadcast %jit3A_560 : f32 to vector<256x128xf32>
    %select_n3A_562 = arith.select %le3A_559, %broadcast_in_dim3A_561, %slice3A_63 : vector<256x128xi1>, vector<256x128xf32>
    %le3A_563 = arith.cmpf ole, %slice3A_64, %max3A_433 : vector<256x128xf32>
    %jit3A_564 = arith.constant 0x7F800000 : f32
    %broadcast_in_dim3A_565 = vector.broadcast %jit3A_564 : f32 to vector<256x128xf32>
    %select_n3A_566 = arith.select %le3A_563, %broadcast_in_dim3A_565, %slice3A_64 : vector<256x128xi1>, vector<256x128xf32>
    %le3A_567 = arith.cmpf ole, %slice3A_65, %max3A_433 : vector<256x128xf32>
    %jit3A_568 = arith.constant 0x7F800000 : f32
    %broadcast_in_dim3A_569 = vector.broadcast %jit3A_568 : f32 to vector<256x128xf32>
    %select_n3A_570 = arith.select %le3A_567, %broadcast_in_dim3A_569, %slice3A_65 : vector<256x128xi1>, vector<256x128xf32>
    %le3A_571 = arith.cmpf ole, %slice3A_66, %max3A_433 : vector<256x128xf32>
    %jit3A_572 = arith.constant 0x7F800000 : f32
    %broadcast_in_dim3A_573 = vector.broadcast %jit3A_572 : f32 to vector<256x128xf32>
    %select_n3A_574 = arith.select %le3A_571, %broadcast_in_dim3A_573, %slice3A_66 : vector<256x128xi1>, vector<256x128xf32>
    %le3A_575 = arith.cmpf ole, %slice3A_67, %max3A_433 : vector<256x128xf32>
    %jit3A_576 = arith.constant 0x7F800000 : f32
    %broadcast_in_dim3A_577 = vector.broadcast %jit3A_576 : f32 to vector<256x128xf32>
    %select_n3A_578 = arith.select %le3A_575, %broadcast_in_dim3A_577, %slice3A_67 : vector<256x128xi1>, vector<256x128xf32>
    %le3A_579 = arith.cmpf ole, %slice3A_68, %max3A_433 : vector<256x128xf32>
    %jit3A_580 = arith.constant 0x7F800000 : f32
    %broadcast_in_dim3A_581 = vector.broadcast %jit3A_580 : f32 to vector<256x128xf32>
    %select_n3A_582 = arith.select %le3A_579, %broadcast_in_dim3A_581, %slice3A_68 : vector<256x128xi1>, vector<256x128xf32>
    %le3A_583 = arith.cmpf ole, %slice3A_69, %max3A_433 : vector<256x128xf32>
    %jit3A_584 = arith.constant 0x7F800000 : f32
    %broadcast_in_dim3A_585 = vector.broadcast %jit3A_584 : f32 to vector<256x128xf32>
    %select_n3A_586 = arith.select %le3A_583, %broadcast_in_dim3A_585, %slice3A_69 : vector<256x128xi1>, vector<256x128xf32>
    %le3A_587 = arith.cmpf ole, %slice3A_70, %max3A_433 : vector<256x128xf32>
    %jit3A_588 = arith.constant 0x7F800000 : f32
    %broadcast_in_dim3A_589 = vector.broadcast %jit3A_588 : f32 to vector<256x128xf32>
    %select_n3A_590 = arith.select %le3A_587, %broadcast_in_dim3A_589, %slice3A_70 : vector<256x128xi1>, vector<256x128xf32>
    %le3A_591 = arith.cmpf ole, %slice3A_71, %max3A_433 : vector<256x128xf32>
    %jit3A_592 = arith.constant 0x7F800000 : f32
    %broadcast_in_dim3A_593 = vector.broadcast %jit3A_592 : f32 to vector<256x128xf32>
    %select_n3A_594 = arith.select %le3A_591, %broadcast_in_dim3A_593, %slice3A_71 : vector<256x128xi1>, vector<256x128xf32>
    %le3A_595 = arith.cmpf ole, %slice3A_72, %max3A_433 : vector<256x128xf32>
    %jit3A_596 = arith.constant 0x7F800000 : f32
    %broadcast_in_dim3A_597 = vector.broadcast %jit3A_596 : f32 to vector<256x128xf32>
    %select_n3A_598 = arith.select %le3A_595, %broadcast_in_dim3A_597, %slice3A_72 : vector<256x128xi1>, vector<256x128xf32>
    %le3A_599 = arith.cmpf ole, %slice3A_73, %max3A_433 : vector<256x128xf32>
    %jit3A_600 = arith.constant 0x7F800000 : f32
    %broadcast_in_dim3A_601 = vector.broadcast %jit3A_600 : f32 to vector<256x128xf32>
    %select_n3A_602 = arith.select %le3A_599, %broadcast_in_dim3A_601, %slice3A_73 : vector<256x128xi1>, vector<256x128xf32>
    %le3A_603 = arith.cmpf ole, %slice3A_74, %max3A_433 : vector<256x128xf32>
    %jit3A_604 = arith.constant 0x7F800000 : f32
    %broadcast_in_dim3A_605 = vector.broadcast %jit3A_604 : f32 to vector<256x128xf32>
    %select_n3A_606 = arith.select %le3A_603, %broadcast_in_dim3A_605, %slice3A_74 : vector<256x128xi1>, vector<256x128xf32>
    %le3A_607 = arith.cmpf ole, %slice3A_75, %max3A_433 : vector<256x128xf32>
    %jit3A_608 = arith.constant 0x7F800000 : f32
    %broadcast_in_dim3A_609 = vector.broadcast %jit3A_608 : f32 to vector<256x128xf32>
    %select_n3A_610 = arith.select %le3A_607, %broadcast_in_dim3A_609, %slice3A_75 : vector<256x128xi1>, vector<256x128xf32>
    %le3A_611 = arith.cmpf ole, %slice3A_76, %max3A_433 : vector<256x128xf32>
    %jit3A_612 = arith.constant 0x7F800000 : f32
    %broadcast_in_dim3A_613 = vector.broadcast %jit3A_612 : f32 to vector<256x128xf32>
    %select_n3A_614 = arith.select %le3A_611, %broadcast_in_dim3A_613, %slice3A_76 : vector<256x128xi1>, vector<256x128xf32>
    %le3A_615 = arith.cmpf ole, %slice3A_77, %max3A_433 : vector<256x128xf32>
    %jit3A_616 = arith.constant 0x7F800000 : f32
    %broadcast_in_dim3A_617 = vector.broadcast %jit3A_616 : f32 to vector<256x128xf32>
    %select_n3A_618 = arith.select %le3A_615, %broadcast_in_dim3A_617, %slice3A_77 : vector<256x128xi1>, vector<256x128xf32>
    %le3A_619 = arith.cmpf ole, %slice3A_78, %max3A_433 : vector<256x128xf32>
    %jit3A_620 = arith.constant 0x7F800000 : f32
    %broadcast_in_dim3A_621 = vector.broadcast %jit3A_620 : f32 to vector<256x128xf32>
    %select_n3A_622 = arith.select %le3A_619, %broadcast_in_dim3A_621, %slice3A_78 : vector<256x128xi1>, vector<256x128xf32>
    %le3A_623 = arith.cmpf ole, %slice3A_79, %max3A_433 : vector<256x128xf32>
    %jit3A_624 = arith.constant 0x7F800000 : f32
    %broadcast_in_dim3A_625 = vector.broadcast %jit3A_624 : f32 to vector<256x128xf32>
    %select_n3A_626 = arith.select %le3A_623, %broadcast_in_dim3A_625, %slice3A_79 : vector<256x128xi1>, vector<256x128xf32>
    %le3A_627 = arith.cmpf ole, %slice3A_80, %max3A_433 : vector<256x128xf32>
    %jit3A_628 = arith.constant 0x7F800000 : f32
    %broadcast_in_dim3A_629 = vector.broadcast %jit3A_628 : f32 to vector<256x128xf32>
    %select_n3A_630 = arith.select %le3A_627, %broadcast_in_dim3A_629, %slice3A_80 : vector<256x128xi1>, vector<256x128xf32>
    %le3A_631 = arith.cmpf ole, %slice3A_81, %max3A_433 : vector<256x128xf32>
    %jit3A_632 = arith.constant 0x7F800000 : f32
    %broadcast_in_dim3A_633 = vector.broadcast %jit3A_632 : f32 to vector<256x128xf32>
    %select_n3A_634 = arith.select %le3A_631, %broadcast_in_dim3A_633, %slice3A_81 : vector<256x128xi1>, vector<256x128xf32>
    %le3A_635 = arith.cmpf ole, %slice3A_82, %max3A_433 : vector<256x128xf32>
    %jit3A_636 = arith.constant 0x7F800000 : f32
    %broadcast_in_dim3A_637 = vector.broadcast %jit3A_636 : f32 to vector<256x128xf32>
    %select_n3A_638 = arith.select %le3A_635, %broadcast_in_dim3A_637, %slice3A_82 : vector<256x128xi1>, vector<256x128xf32>
    %le3A_639 = arith.cmpf ole, %slice3A_83, %max3A_433 : vector<256x128xf32>
    %jit3A_640 = arith.constant 0x7F800000 : f32
    %broadcast_in_dim3A_641 = vector.broadcast %jit3A_640 : f32 to vector<256x128xf32>
    %select_n3A_642 = arith.select %le3A_639, %broadcast_in_dim3A_641, %slice3A_83 : vector<256x128xi1>, vector<256x128xf32>
    %le3A_643 = arith.cmpf ole, %slice3A_84, %max3A_433 : vector<256x128xf32>
    %jit3A_644 = arith.constant 0x7F800000 : f32
    %broadcast_in_dim3A_645 = vector.broadcast %jit3A_644 : f32 to vector<256x128xf32>
    %select_n3A_646 = arith.select %le3A_643, %broadcast_in_dim3A_645, %slice3A_84 : vector<256x128xi1>, vector<256x128xf32>
    %le3A_647 = arith.cmpf ole, %slice3A_85, %max3A_433 : vector<256x128xf32>
    %jit3A_648 = arith.constant 0x7F800000 : f32
    %broadcast_in_dim3A_649 = vector.broadcast %jit3A_648 : f32 to vector<256x128xf32>
    %select_n3A_650 = arith.select %le3A_647, %broadcast_in_dim3A_649, %slice3A_85 : vector<256x128xi1>, vector<256x128xf32>
    %le3A_651 = arith.cmpf ole, %slice3A_86, %max3A_433 : vector<256x128xf32>
    %jit3A_652 = arith.constant 0x7F800000 : f32
    %broadcast_in_dim3A_653 = vector.broadcast %jit3A_652 : f32 to vector<256x128xf32>
    %select_n3A_654 = arith.select %le3A_651, %broadcast_in_dim3A_653, %slice3A_86 : vector<256x128xi1>, vector<256x128xf32>
    %le3A_655 = arith.cmpf ole, %slice3A_87, %max3A_433 : vector<256x128xf32>
    %jit3A_656 = arith.constant 0x7F800000 : f32
    %broadcast_in_dim3A_657 = vector.broadcast %jit3A_656 : f32 to vector<256x128xf32>
    %select_n3A_658 = arith.select %le3A_655, %broadcast_in_dim3A_657, %slice3A_87 : vector<256x128xi1>, vector<256x128xf32>
    %le3A_659 = arith.cmpf ole, %slice3A_88, %max3A_433 : vector<256x128xf32>
    %jit3A_660 = arith.constant 0x7F800000 : f32
    %broadcast_in_dim3A_661 = vector.broadcast %jit3A_660 : f32 to vector<256x128xf32>
    %select_n3A_662 = arith.select %le3A_659, %broadcast_in_dim3A_661, %slice3A_88 : vector<256x128xi1>, vector<256x128xf32>
    %le3A_663 = arith.cmpf ole, %slice3A_89, %max3A_433 : vector<256x128xf32>
    %jit3A_664 = arith.constant 0x7F800000 : f32
    %broadcast_in_dim3A_665 = vector.broadcast %jit3A_664 : f32 to vector<256x128xf32>
    %select_n3A_666 = arith.select %le3A_663, %broadcast_in_dim3A_665, %slice3A_89 : vector<256x128xi1>, vector<256x128xf32>
    %le3A_667 = arith.cmpf ole, %slice3A_90, %max3A_433 : vector<256x128xf32>
    %jit3A_668 = arith.constant 0x7F800000 : f32
    %broadcast_in_dim3A_669 = vector.broadcast %jit3A_668 : f32 to vector<256x128xf32>
    %select_n3A_670 = arith.select %le3A_667, %broadcast_in_dim3A_669, %slice3A_90 : vector<256x128xi1>, vector<256x128xf32>
    %le3A_671 = arith.cmpf ole, %slice3A_91, %max3A_433 : vector<256x128xf32>
    %jit3A_672 = arith.constant 0x7F800000 : f32
    %broadcast_in_dim3A_673 = vector.broadcast %jit3A_672 : f32 to vector<256x128xf32>
    %select_n3A_674 = arith.select %le3A_671, %broadcast_in_dim3A_673, %slice3A_91 : vector<256x128xi1>, vector<256x128xf32>
    %le3A_675 = arith.cmpf ole, %slice3A_92, %max3A_433 : vector<256x128xf32>
    %jit3A_676 = arith.constant 0x7F800000 : f32
    %broadcast_in_dim3A_677 = vector.broadcast %jit3A_676 : f32 to vector<256x128xf32>
    %select_n3A_678 = arith.select %le3A_675, %broadcast_in_dim3A_677, %slice3A_92 : vector<256x128xi1>, vector<256x128xf32>
    %le3A_679 = arith.cmpf ole, %slice3A_93, %max3A_433 : vector<256x128xf32>
    %jit3A_680 = arith.constant 0x7F800000 : f32
    %broadcast_in_dim3A_681 = vector.broadcast %jit3A_680 : f32 to vector<256x128xf32>
    %select_n3A_682 = arith.select %le3A_679, %broadcast_in_dim3A_681, %slice3A_93 : vector<256x128xi1>, vector<256x128xf32>
    %le3A_683 = arith.cmpf ole, %slice3A_94, %max3A_433 : vector<256x128xf32>
    %jit3A_684 = arith.constant 0x7F800000 : f32
    %broadcast_in_dim3A_685 = vector.broadcast %jit3A_684 : f32 to vector<256x128xf32>
    %select_n3A_686 = arith.select %le3A_683, %broadcast_in_dim3A_685, %slice3A_94 : vector<256x128xi1>, vector<256x128xf32>
    %min3A_687 = arith.minimumf %select_n3A, %select_n3A_438 : vector<256x128xf32>
    %min3A_688 = arith.minimumf %select_n3A_442, %select_n3A_446 : vector<256x128xf32>
    %min3A_689 = arith.minimumf %select_n3A_450, %select_n3A_454 : vector<256x128xf32>
    %min3A_690 = arith.minimumf %select_n3A_458, %select_n3A_462 : vector<256x128xf32>
    %min3A_691 = arith.minimumf %select_n3A_466, %select_n3A_470 : vector<256x128xf32>
    %min3A_692 = arith.minimumf %select_n3A_474, %select_n3A_478 : vector<256x128xf32>
    %min3A_693 = arith.minimumf %select_n3A_482, %select_n3A_486 : vector<256x128xf32>
    %min3A_694 = arith.minimumf %select_n3A_490, %select_n3A_494 : vector<256x128xf32>
    %min3A_695 = arith.minimumf %select_n3A_498, %select_n3A_502 : vector<256x128xf32>
    %min3A_696 = arith.minimumf %select_n3A_506, %select_n3A_510 : vector<256x128xf32>
    %min3A_697 = arith.minimumf %select_n3A_514, %select_n3A_518 : vector<256x128xf32>
    %min3A_698 = arith.minimumf %select_n3A_522, %select_n3A_526 : vector<256x128xf32>
    %min3A_699 = arith.minimumf %select_n3A_530, %select_n3A_534 : vector<256x128xf32>
    %min3A_700 = arith.minimumf %select_n3A_538, %select_n3A_542 : vector<256x128xf32>
    %min3A_701 = arith.minimumf %select_n3A_546, %select_n3A_550 : vector<256x128xf32>
    %min3A_702 = arith.minimumf %select_n3A_554, %select_n3A_558 : vector<256x128xf32>
    %min3A_703 = arith.minimumf %select_n3A_562, %select_n3A_566 : vector<256x128xf32>
    %min3A_704 = arith.minimumf %select_n3A_570, %select_n3A_574 : vector<256x128xf32>
    %min3A_705 = arith.minimumf %select_n3A_578, %select_n3A_582 : vector<256x128xf32>
    %min3A_706 = arith.minimumf %select_n3A_586, %select_n3A_590 : vector<256x128xf32>
    %min3A_707 = arith.minimumf %select_n3A_594, %select_n3A_598 : vector<256x128xf32>
    %min3A_708 = arith.minimumf %select_n3A_602, %select_n3A_606 : vector<256x128xf32>
    %min3A_709 = arith.minimumf %select_n3A_610, %select_n3A_614 : vector<256x128xf32>
    %min3A_710 = arith.minimumf %select_n3A_618, %select_n3A_622 : vector<256x128xf32>
    %min3A_711 = arith.minimumf %select_n3A_626, %select_n3A_630 : vector<256x128xf32>
    %min3A_712 = arith.minimumf %select_n3A_634, %select_n3A_638 : vector<256x128xf32>
    %min3A_713 = arith.minimumf %select_n3A_642, %select_n3A_646 : vector<256x128xf32>
    %min3A_714 = arith.minimumf %select_n3A_650, %select_n3A_654 : vector<256x128xf32>
    %min3A_715 = arith.minimumf %select_n3A_658, %select_n3A_662 : vector<256x128xf32>
    %min3A_716 = arith.minimumf %select_n3A_666, %select_n3A_670 : vector<256x128xf32>
    %min3A_717 = arith.minimumf %select_n3A_674, %select_n3A_678 : vector<256x128xf32>
    %min3A_718 = arith.minimumf %select_n3A_682, %select_n3A_686 : vector<256x128xf32>
    %min3A_719 = arith.minimumf %min3A_687, %min3A_688 : vector<256x128xf32>
    %min3A_720 = arith.minimumf %min3A_689, %min3A_690 : vector<256x128xf32>
    %min3A_721 = arith.minimumf %min3A_691, %min3A_692 : vector<256x128xf32>
    %min3A_722 = arith.minimumf %min3A_693, %min3A_694 : vector<256x128xf32>
    %min3A_723 = arith.minimumf %min3A_695, %min3A_696 : vector<256x128xf32>
    %min3A_724 = arith.minimumf %min3A_697, %min3A_698 : vector<256x128xf32>
    %min3A_725 = arith.minimumf %min3A_699, %min3A_700 : vector<256x128xf32>
    %min3A_726 = arith.minimumf %min3A_701, %min3A_702 : vector<256x128xf32>
    %min3A_727 = arith.minimumf %min3A_703, %min3A_704 : vector<256x128xf32>
    %min3A_728 = arith.minimumf %min3A_705, %min3A_706 : vector<256x128xf32>
    %min3A_729 = arith.minimumf %min3A_707, %min3A_708 : vector<256x128xf32>
    %min3A_730 = arith.minimumf %min3A_709, %min3A_710 : vector<256x128xf32>
    %min3A_731 = arith.minimumf %min3A_711, %min3A_712 : vector<256x128xf32>
    %min3A_732 = arith.minimumf %min3A_713, %min3A_714 : vector<256x128xf32>
    %min3A_733 = arith.minimumf %min3A_715, %min3A_716 : vector<256x128xf32>
    %min3A_734 = arith.minimumf %min3A_717, %min3A_718 : vector<256x128xf32>
    %min3A_735 = arith.minimumf %min3A_719, %min3A_720 : vector<256x128xf32>
    %min3A_736 = arith.minimumf %min3A_721, %min3A_722 : vector<256x128xf32>
    %min3A_737 = arith.minimumf %min3A_723, %min3A_724 : vector<256x128xf32>
    %min3A_738 = arith.minimumf %min3A_725, %min3A_726 : vector<256x128xf32>
    %min3A_739 = arith.minimumf %min3A_727, %min3A_728 : vector<256x128xf32>
    %min3A_740 = arith.minimumf %min3A_729, %min3A_730 : vector<256x128xf32>
    %min3A_741 = arith.minimumf %min3A_731, %min3A_732 : vector<256x128xf32>
    %min3A_742 = arith.minimumf %min3A_733, %min3A_734 : vector<256x128xf32>
    %min3A_743 = arith.minimumf %min3A_735, %min3A_736 : vector<256x128xf32>
    %min3A_744 = arith.minimumf %min3A_737, %min3A_738 : vector<256x128xf32>
    %min3A_745 = arith.minimumf %min3A_739, %min3A_740 : vector<256x128xf32>
    %min3A_746 = arith.minimumf %min3A_741, %min3A_742 : vector<256x128xf32>
    %min3A_747 = arith.minimumf %min3A_743, %min3A_744 : vector<256x128xf32>
    %min3A_748 = arith.minimumf %min3A_745, %min3A_746 : vector<256x128xf32>
    %min3A_749 = arith.minimumf %min3A_747, %min3A_748 : vector<256x128xf32>
    %concatenate3A_750 = tpu.concatenate %min3A_430, %max3A_431, %min3A_432, %max3A_433, %min3A_749 in 1 : vector<256x128xf32>, vector<256x128xf32>, vector<256x128xf32>, vector<256x128xf32>, vector<256x128xf32> -> vector<256x640xf32>
    %reduce_min3A = arith.constant dense<0x7F800000> : vector<256xf32>
    %reduce_min3A_751 = vector.multi_reduction <minimumf>, %concatenate3A_750, %reduce_min3A [1] : vector<256x640xf32> to vector<256xf32>
    %broadcast_in_dim3A_752 = vector.shape_cast %reduce_min3A_751 : vector<256xf32> to vector<256x1xf32>
    %le3A_753 = vector.broadcast %broadcast_in_dim3A_752 : vector<256x1xf32> to vector<256x640xf32>
    %le3A_754 = arith.cmpf ole, %concatenate3A_750, %le3A_753 : vector<256x640xf32>
    %jit3A_755 = arith.constant 0x7F800000 : f32
    %broadcast_in_dim3A_756 = vector.broadcast %jit3A_755 : f32 to vector<256x640xf32>
    %select_n3A_757 = arith.select %le3A_754, %broadcast_in_dim3A_756, %concatenate3A_750 : vector<256x640xi1>, vector<256x640xf32>
    %reduce_min3A_758 = arith.constant dense<0x7F800000> : vector<256xf32>
    %reduce_min3A_759 = vector.multi_reduction <minimumf>, %select_n3A_757, %reduce_min3A_758 [1] : vector<256x640xf32> to vector<256xf32>
    %broadcast_in_dim3A_760 = vector.shape_cast %reduce_min3A_759 : vector<256xf32> to vector<256x1xf32>
    %le3A_761 = vector.broadcast %broadcast_in_dim3A_760 : vector<256x1xf32> to vector<256x640xf32>
    %le3A_762 = arith.cmpf ole, %select_n3A_757, %le3A_761 : vector<256x640xf32>
    %jit3A_763 = arith.constant 0x7F800000 : f32
    %broadcast_in_dim3A_764 = vector.broadcast %jit3A_763 : f32 to vector<256x640xf32>
    %select_n3A_765 = arith.select %le3A_762, %broadcast_in_dim3A_764, %select_n3A_757 : vector<256x640xi1>, vector<256x640xf32>
    %reduce_min3A_766 = arith.constant dense<0x7F800000> : vector<256xf32>
    %reduce_min3A_767 = vector.multi_reduction <minimumf>, %select_n3A_765, %reduce_min3A_766 [1] : vector<256x640xf32> to vector<256xf32>
    %broadcast_in_dim3A_768 = vector.shape_cast %reduce_min3A_767 : vector<256xf32> to vector<256x1xf32>
    %le3A_769 = vector.broadcast %broadcast_in_dim3A_768 : vector<256x1xf32> to vector<256x640xf32>
    %le3A_770 = arith.cmpf ole, %select_n3A_765, %le3A_769 : vector<256x640xf32>
    %jit3A_771 = arith.constant 0x7F800000 : f32
    %broadcast_in_dim3A_772 = vector.broadcast %jit3A_771 : f32 to vector<256x640xf32>
    %select_n3A_773 = arith.select %le3A_770, %broadcast_in_dim3A_772, %select_n3A_765 : vector<256x640xi1>, vector<256x640xf32>
    %reduce_min3A_774 = arith.constant dense<0x7F800000> : vector<256xf32>
    %reduce_min3A_775 = vector.multi_reduction <minimumf>, %select_n3A_773, %reduce_min3A_774 [1] : vector<256x640xf32> to vector<256xf32>
    %broadcast_in_dim3A_776 = vector.shape_cast %reduce_min3A_775 : vector<256xf32> to vector<256x1xf32>
    %le3A_777 = vector.broadcast %broadcast_in_dim3A_776 : vector<256x1xf32> to vector<256x640xf32>
    %le3A_778 = arith.cmpf ole, %select_n3A_773, %le3A_777 : vector<256x640xf32>
    %jit3A_779 = arith.constant 0x7F800000 : f32
    %broadcast_in_dim3A_780 = vector.broadcast %jit3A_779 : f32 to vector<256x640xf32>
    %select_n3A_781 = arith.select %le3A_778, %broadcast_in_dim3A_780, %select_n3A_773 : vector<256x640xi1>, vector<256x640xf32>
    %reduce_min3A_782 = arith.constant dense<0x7F800000> : vector<256xf32>
    %reduce_min3A_783 = vector.multi_reduction <minimumf>, %select_n3A_781, %reduce_min3A_782 [1] : vector<256x640xf32> to vector<256xf32>
    %broadcast_in_dim3A_784 = vector.shape_cast %reduce_min3A_783 : vector<256xf32> to vector<256x1xf32>
    %le3A_785 = vector.broadcast %broadcast_in_dim3A_784 : vector<256x1xf32> to vector<256x640xf32>
    %le3A_786 = arith.cmpf ole, %select_n3A_781, %le3A_785 : vector<256x640xf32>
    %jit3A_787 = arith.constant 0x7F800000 : f32
    %broadcast_in_dim3A_788 = vector.broadcast %jit3A_787 : f32 to vector<256x640xf32>
    %select_n3A_789 = arith.select %le3A_786, %broadcast_in_dim3A_788, %select_n3A_781 : vector<256x640xi1>, vector<256x640xf32>
    %reduce_min3A_790 = arith.constant dense<0x7F800000> : vector<256xf32>
    %reduce_min3A_791 = vector.multi_reduction <minimumf>, %select_n3A_789, %reduce_min3A_790 [1] : vector<256x640xf32> to vector<256xf32>
    %broadcast_in_dim3A_792 = vector.shape_cast %reduce_min3A_791 : vector<256xf32> to vector<256x1xf32>
    %le3A_793 = vector.broadcast %broadcast_in_dim3A_792 : vector<256x1xf32> to vector<256x640xf32>
    %le3A_794 = arith.cmpf ole, %select_n3A_789, %le3A_793 : vector<256x640xf32>
    %jit3A_795 = arith.constant 0x7F800000 : f32
    %broadcast_in_dim3A_796 = vector.broadcast %jit3A_795 : f32 to vector<256x640xf32>
    %select_n3A_797 = arith.select %le3A_794, %broadcast_in_dim3A_796, %select_n3A_789 : vector<256x640xi1>, vector<256x640xf32>
    %reduce_min3A_798 = arith.constant dense<0x7F800000> : vector<256xf32>
    %reduce_min3A_799 = vector.multi_reduction <minimumf>, %select_n3A_797, %reduce_min3A_798 [1] : vector<256x640xf32> to vector<256xf32>
    %broadcast_in_dim3A_800 = vector.shape_cast %reduce_min3A_799 : vector<256xf32> to vector<256x1xf32>
    %le3A_801 = vector.broadcast %broadcast_in_dim3A_800 : vector<256x1xf32> to vector<256x640xf32>
    %le3A_802 = arith.cmpf ole, %select_n3A_797, %le3A_801 : vector<256x640xf32>
    %jit3A_803 = arith.constant 0x7F800000 : f32
    %broadcast_in_dim3A_804 = vector.broadcast %jit3A_803 : f32 to vector<256x640xf32>
    %select_n3A_805 = arith.select %le3A_802, %broadcast_in_dim3A_804, %select_n3A_797 : vector<256x640xi1>, vector<256x640xf32>
    %reduce_min3A_806 = arith.constant dense<0x7F800000> : vector<256xf32>
    %reduce_min3A_807 = vector.multi_reduction <minimumf>, %select_n3A_805, %reduce_min3A_806 [1] : vector<256x640xf32> to vector<256xf32>
    %broadcast_in_dim3A_808 = vector.shape_cast %reduce_min3A_807 : vector<256xf32> to vector<256x1xf32>
    %le3A_809 = vector.broadcast %broadcast_in_dim3A_808 : vector<256x1xf32> to vector<256x640xf32>
    %le3A_810 = arith.cmpf ole, %select_n3A_805, %le3A_809 : vector<256x640xf32>
    %jit3A_811 = arith.constant 0x7F800000 : f32
    %broadcast_in_dim3A_812 = vector.broadcast %jit3A_811 : f32 to vector<256x640xf32>
    %select_n3A_813 = arith.select %le3A_810, %broadcast_in_dim3A_812, %select_n3A_805 : vector<256x640xi1>, vector<256x640xf32>
    %reduce_min3A_814 = arith.constant dense<0x7F800000> : vector<256xf32>
    %reduce_min3A_815 = vector.multi_reduction <minimumf>, %select_n3A_813, %reduce_min3A_814 [1] : vector<256x640xf32> to vector<256xf32>
    %broadcast_in_dim3A_816 = vector.shape_cast %reduce_min3A_815 : vector<256xf32> to vector<256x1xf32>
    %le3A_817 = vector.broadcast %broadcast_in_dim3A_816 : vector<256x1xf32> to vector<256x640xf32>
    %le3A_818 = arith.cmpf ole, %select_n3A_813, %le3A_817 : vector<256x640xf32>
    %jit3A_819 = arith.constant 0x7F800000 : f32
    %broadcast_in_dim3A_820 = vector.broadcast %jit3A_819 : f32 to vector<256x640xf32>
    %select_n3A_821 = arith.select %le3A_818, %broadcast_in_dim3A_820, %select_n3A_813 : vector<256x640xi1>, vector<256x640xf32>
    %reduce_min3A_822 = arith.constant dense<0x7F800000> : vector<256xf32>
    %reduce_min3A_823 = vector.multi_reduction <minimumf>, %select_n3A_821, %reduce_min3A_822 [1] : vector<256x640xf32> to vector<256xf32>
    %broadcast_in_dim3A_824 = vector.shape_cast %reduce_min3A_823 : vector<256xf32> to vector<256x1xf32>
    %le3A_825 = vector.broadcast %broadcast_in_dim3A_824 : vector<256x1xf32> to vector<256x640xf32>
    %le3A_826 = arith.cmpf ole, %select_n3A_821, %le3A_825 : vector<256x640xf32>
    %jit3A_827 = arith.constant 0x7F800000 : f32
    %broadcast_in_dim3A_828 = vector.broadcast %jit3A_827 : f32 to vector<256x640xf32>
    %select_n3A_829 = arith.select %le3A_826, %broadcast_in_dim3A_828, %select_n3A_821 : vector<256x640xi1>, vector<256x640xf32>
    %reduce_min3A_830 = arith.constant dense<0x7F800000> : vector<256xf32>
    %reduce_min3A_831 = vector.multi_reduction <minimumf>, %select_n3A_829, %reduce_min3A_830 [1] : vector<256x640xf32> to vector<256xf32>
    %broadcast_in_dim3A_832 = vector.shape_cast %reduce_min3A_831 : vector<256xf32> to vector<256x1xf32>
    %le3A_833 = vector.broadcast %broadcast_in_dim3A_832 : vector<256x1xf32> to vector<256x640xf32>
    %le3A_834 = arith.cmpf ole, %select_n3A_829, %le3A_833 : vector<256x640xf32>
    %jit3A_835 = arith.constant 0x7F800000 : f32
    %broadcast_in_dim3A_836 = vector.broadcast %jit3A_835 : f32 to vector<256x640xf32>
    %select_n3A_837 = arith.select %le3A_834, %broadcast_in_dim3A_836, %select_n3A_829 : vector<256x640xi1>, vector<256x640xf32>
    %reduce_min3A_838 = arith.constant dense<0x7F800000> : vector<256xf32>
    %reduce_min3A_839 = vector.multi_reduction <minimumf>, %select_n3A_837, %reduce_min3A_838 [1] : vector<256x640xf32> to vector<256xf32>
    %broadcast_in_dim3A_840 = vector.shape_cast %reduce_min3A_839 : vector<256xf32> to vector<256x1xf32>
    %le3A_841 = vector.broadcast %broadcast_in_dim3A_840 : vector<256x1xf32> to vector<256x640xf32>
    %le3A_842 = arith.cmpf ole, %select_n3A_837, %le3A_841 : vector<256x640xf32>
    %jit3A_843 = arith.constant 0x7F800000 : f32
    %broadcast_in_dim3A_844 = vector.broadcast %jit3A_843 : f32 to vector<256x640xf32>
    %select_n3A_845 = arith.select %le3A_842, %broadcast_in_dim3A_844, %select_n3A_837 : vector<256x640xi1>, vector<256x640xf32>
    %reduce_min3A_846 = arith.constant dense<0x7F800000> : vector<256xf32>
    %reduce_min3A_847 = vector.multi_reduction <minimumf>, %select_n3A_845, %reduce_min3A_846 [1] : vector<256x640xf32> to vector<256xf32>
    %broadcast_in_dim3A_848 = vector.shape_cast %reduce_min3A_847 : vector<256xf32> to vector<256x1xf32>
    %le3A_849 = vector.broadcast %broadcast_in_dim3A_848 : vector<256x1xf32> to vector<256x640xf32>
    %le3A_850 = arith.cmpf ole, %select_n3A_845, %le3A_849 : vector<256x640xf32>
    %jit3A_851 = arith.constant 0x7F800000 : f32
    %broadcast_in_dim3A_852 = vector.broadcast %jit3A_851 : f32 to vector<256x640xf32>
    %select_n3A_853 = arith.select %le3A_850, %broadcast_in_dim3A_852, %select_n3A_845 : vector<256x640xi1>, vector<256x640xf32>
    %reduce_min3A_854 = arith.constant dense<0x7F800000> : vector<256xf32>
    %reduce_min3A_855 = vector.multi_reduction <minimumf>, %select_n3A_853, %reduce_min3A_854 [1] : vector<256x640xf32> to vector<256xf32>
    %broadcast_in_dim3A_856 = vector.shape_cast %reduce_min3A_855 : vector<256xf32> to vector<256x1xf32>
    %le3A_857 = vector.broadcast %broadcast_in_dim3A_856 : vector<256x1xf32> to vector<256x640xf32>
    %le3A_858 = arith.cmpf ole, %select_n3A_853, %le3A_857 : vector<256x640xf32>
    %jit3A_859 = arith.constant 0x7F800000 : f32
    %broadcast_in_dim3A_860 = vector.broadcast %jit3A_859 : f32 to vector<256x640xf32>
    %select_n3A_861 = arith.select %le3A_858, %broadcast_in_dim3A_860, %select_n3A_853 : vector<256x640xi1>, vector<256x640xf32>
    %reduce_min3A_862 = arith.constant dense<0x7F800000> : vector<256xf32>
    %reduce_min3A_863 = vector.multi_reduction <minimumf>, %select_n3A_861, %reduce_min3A_862 [1] : vector<256x640xf32> to vector<256xf32>
    %broadcast_in_dim3A_864 = vector.shape_cast %reduce_min3A_863 : vector<256xf32> to vector<256x1xf32>
    %le3A_865 = vector.broadcast %broadcast_in_dim3A_864 : vector<256x1xf32> to vector<256x640xf32>
    %le3A_866 = arith.cmpf ole, %select_n3A_861, %le3A_865 : vector<256x640xf32>
    %jit3A_867 = arith.constant 0x7F800000 : f32
    %broadcast_in_dim3A_868 = vector.broadcast %jit3A_867 : f32 to vector<256x640xf32>
    %select_n3A_869 = arith.select %le3A_866, %broadcast_in_dim3A_868, %select_n3A_861 : vector<256x640xi1>, vector<256x640xf32>
    %reduce_min3A_870 = arith.constant dense<0x7F800000> : vector<256xf32>
    %reduce_min3A_871 = vector.multi_reduction <minimumf>, %select_n3A_869, %reduce_min3A_870 [1] : vector<256x640xf32> to vector<256xf32>
    %broadcast_in_dim3A_872 = vector.shape_cast %reduce_min3A_871 : vector<256xf32> to vector<256x1xf32>
    %le3A_873 = vector.broadcast %broadcast_in_dim3A_872 : vector<256x1xf32> to vector<256x640xf32>
    %le3A_874 = arith.cmpf ole, %select_n3A_869, %le3A_873 : vector<256x640xf32>
    %jit3A_875 = arith.constant 0x7F800000 : f32
    %broadcast_in_dim3A_876 = vector.broadcast %jit3A_875 : f32 to vector<256x640xf32>
    %select_n3A_877 = arith.select %le3A_874, %broadcast_in_dim3A_876, %select_n3A_869 : vector<256x640xi1>, vector<256x640xf32>
    %reduce_min3A_878 = arith.constant dense<0x7F800000> : vector<256xf32>
    %reduce_min3A_879 = vector.multi_reduction <minimumf>, %select_n3A_877, %reduce_min3A_878 [1] : vector<256x640xf32> to vector<256xf32>
    %broadcast_in_dim3A_880 = vector.shape_cast %reduce_min3A_879 : vector<256xf32> to vector<256x1xf32>
    %le3A_881 = vector.broadcast %broadcast_in_dim3A_880 : vector<256x1xf32> to vector<256x128xf32>
    %le3A_882 = arith.cmpf ole, %min3A_749, %le3A_881 : vector<256x128xf32>
    %reduce_or3A = arith.constant 1.000000e+00 : f32
    %reduce_or3A_883 = arith.constant 0.000000e+00 : f32
    %reduce_or3A_884 = vector.broadcast %reduce_or3A : f32 to vector<256x128xf32>
    %reduce_or3A_885 = vector.broadcast %reduce_or3A_883 : f32 to vector<256x128xf32>
    %reduce_or3A_886 = arith.select %le3A_882, %reduce_or3A_884, %reduce_or3A_885 : vector<256x128xi1>, vector<256x128xf32>
    %reduce_or3A_887 = vector.shape_cast %reduce_or3A_886 : vector<256x128xf32> to vector<1x256x128xf32>
    %reduce_or3A_888 = arith.constant dense<0xFF800000> : vector<1xf32>
    %reduce_or3A_889 = vector.multi_reduction <maximumf>, %reduce_or3A_887, %reduce_or3A_888 [1, 2] : vector<1x256x128xf32> to vector<1xf32>
    %reduce_or3A_890 = vector.shape_cast %reduce_or3A_889 : vector<1xf32> to vector<1x1x1xf32>
    %reduce_or3A_891 = vector.extract %reduce_or3A_890[0, 0, 0] : f32 from vector<1x1x1xf32>
    %reduce_or3A_892 = arith.constant 0.000000e+00 : f32
    %reduce_or3A_893 = arith.cmpf ogt, %reduce_or3A_891, %reduce_or3A_892 : f32
    %convert_element_type3A = arith.extui %reduce_or3A_893 : i1 to i32
    %cond3A = arith.constant 0 : i32
    %cond3A_894 = arith.cmpi ne, %convert_element_type3A, %cond3A : i32
    %cond3A_895 = scf.if %cond3A_894 -> (vector<256x1xf32>) {
      %reduce_min3A_930 = arith.constant dense<0x7F800000> : vector<256xf32>
      %reduce_min3A_931 = vector.multi_reduction <minimumf>, %add3A_27, %reduce_min3A_930 [1] : vector<256x8192xf32> to vector<256xf32>
      %broadcast_in_dim3A_932 = vector.shape_cast %reduce_min3A_931 : vector<256xf32> to vector<256x1xf32>
      %le3A_933 = vector.broadcast %broadcast_in_dim3A_932 : vector<256x1xf32> to vector<256x8192xf32>
      %le3A_934 = arith.cmpf ole, %add3A_27, %le3A_933 : vector<256x8192xf32>
      %jit3A_935 = arith.constant 0x7F800000 : f32
      %broadcast_in_dim3A_936 = vector.broadcast %jit3A_935 : f32 to vector<256x8192xf32>
      %select_n3A_937 = arith.select %le3A_934, %broadcast_in_dim3A_936, %add3A_27 : vector<256x8192xi1>, vector<256x8192xf32>
      %reduce_min3A_938 = arith.constant dense<0x7F800000> : vector<256xf32>
      %reduce_min3A_939 = vector.multi_reduction <minimumf>, %select_n3A_937, %reduce_min3A_938 [1] : vector<256x8192xf32> to vector<256xf32>
      %broadcast_in_dim3A_940 = vector.shape_cast %reduce_min3A_939 : vector<256xf32> to vector<256x1xf32>
      %le3A_941 = vector.broadcast %broadcast_in_dim3A_940 : vector<256x1xf32> to vector<256x8192xf32>
      %le3A_942 = arith.cmpf ole, %select_n3A_937, %le3A_941 : vector<256x8192xf32>
      %jit3A_943 = arith.constant 0x7F800000 : f32
      %broadcast_in_dim3A_944 = vector.broadcast %jit3A_943 : f32 to vector<256x8192xf32>
      %select_n3A_945 = arith.select %le3A_942, %broadcast_in_dim3A_944, %select_n3A_937 : vector<256x8192xi1>, vector<256x8192xf32>
      %reduce_min3A_946 = arith.constant dense<0x7F800000> : vector<256xf32>
      %reduce_min3A_947 = vector.multi_reduction <minimumf>, %select_n3A_945, %reduce_min3A_946 [1] : vector<256x8192xf32> to vector<256xf32>
      %broadcast_in_dim3A_948 = vector.shape_cast %reduce_min3A_947 : vector<256xf32> to vector<256x1xf32>
      %le3A_949 = vector.broadcast %broadcast_in_dim3A_948 : vector<256x1xf32> to vector<256x8192xf32>
      %le3A_950 = arith.cmpf ole, %select_n3A_945, %le3A_949 : vector<256x8192xf32>
      %jit3A_951 = arith.constant 0x7F800000 : f32
      %broadcast_in_dim3A_952 = vector.broadcast %jit3A_951 : f32 to vector<256x8192xf32>
      %select_n3A_953 = arith.select %le3A_950, %broadcast_in_dim3A_952, %select_n3A_945 : vector<256x8192xi1>, vector<256x8192xf32>
      %reduce_min3A_954 = arith.constant dense<0x7F800000> : vector<256xf32>
      %reduce_min3A_955 = vector.multi_reduction <minimumf>, %select_n3A_953, %reduce_min3A_954 [1] : vector<256x8192xf32> to vector<256xf32>
      %broadcast_in_dim3A_956 = vector.shape_cast %reduce_min3A_955 : vector<256xf32> to vector<256x1xf32>
      %le3A_957 = vector.broadcast %broadcast_in_dim3A_956 : vector<256x1xf32> to vector<256x8192xf32>
      %le3A_958 = arith.cmpf ole, %select_n3A_953, %le3A_957 : vector<256x8192xf32>
      %jit3A_959 = arith.constant 0x7F800000 : f32
      %broadcast_in_dim3A_960 = vector.broadcast %jit3A_959 : f32 to vector<256x8192xf32>
      %select_n3A_961 = arith.select %le3A_958, %broadcast_in_dim3A_960, %select_n3A_953 : vector<256x8192xi1>, vector<256x8192xf32>
      %reduce_min3A_962 = arith.constant dense<0x7F800000> : vector<256xf32>
      %reduce_min3A_963 = vector.multi_reduction <minimumf>, %select_n3A_961, %reduce_min3A_962 [1] : vector<256x8192xf32> to vector<256xf32>
      %broadcast_in_dim3A_964 = vector.shape_cast %reduce_min3A_963 : vector<256xf32> to vector<256x1xf32>
      %le3A_965 = vector.broadcast %broadcast_in_dim3A_964 : vector<256x1xf32> to vector<256x8192xf32>
      %le3A_966 = arith.cmpf ole, %select_n3A_961, %le3A_965 : vector<256x8192xf32>
      %jit3A_967 = arith.constant 0x7F800000 : f32
      %broadcast_in_dim3A_968 = vector.broadcast %jit3A_967 : f32 to vector<256x8192xf32>
      %select_n3A_969 = arith.select %le3A_966, %broadcast_in_dim3A_968, %select_n3A_961 : vector<256x8192xi1>, vector<256x8192xf32>
      %reduce_min3A_970 = arith.constant dense<0x7F800000> : vector<256xf32>
      %reduce_min3A_971 = vector.multi_reduction <minimumf>, %select_n3A_969, %reduce_min3A_970 [1] : vector<256x8192xf32> to vector<256xf32>
      %broadcast_in_dim3A_972 = vector.shape_cast %reduce_min3A_971 : vector<256xf32> to vector<256x1xf32>
      %le3A_973 = vector.broadcast %broadcast_in_dim3A_972 : vector<256x1xf32> to vector<256x8192xf32>
      %le3A_974 = arith.cmpf ole, %select_n3A_969, %le3A_973 : vector<256x8192xf32>
      %jit3A_975 = arith.constant 0x7F800000 : f32
      %broadcast_in_dim3A_976 = vector.broadcast %jit3A_975 : f32 to vector<256x8192xf32>
      %select_n3A_977 = arith.select %le3A_974, %broadcast_in_dim3A_976, %select_n3A_969 : vector<256x8192xi1>, vector<256x8192xf32>
      %reduce_min3A_978 = arith.constant dense<0x7F800000> : vector<256xf32>
      %reduce_min3A_979 = vector.multi_reduction <minimumf>, %select_n3A_977, %reduce_min3A_978 [1] : vector<256x8192xf32> to vector<256xf32>
      %broadcast_in_dim3A_980 = vector.shape_cast %reduce_min3A_979 : vector<256xf32> to vector<256x1xf32>
      %le3A_981 = vector.broadcast %broadcast_in_dim3A_980 : vector<256x1xf32> to vector<256x8192xf32>
      %le3A_982 = arith.cmpf ole, %select_n3A_977, %le3A_981 : vector<256x8192xf32>
      %jit3A_983 = arith.constant 0x7F800000 : f32
      %broadcast_in_dim3A_984 = vector.broadcast %jit3A_983 : f32 to vector<256x8192xf32>
      %select_n3A_985 = arith.select %le3A_982, %broadcast_in_dim3A_984, %select_n3A_977 : vector<256x8192xi1>, vector<256x8192xf32>
      %reduce_min3A_986 = arith.constant dense<0x7F800000> : vector<256xf32>
      %reduce_min3A_987 = vector.multi_reduction <minimumf>, %select_n3A_985, %reduce_min3A_986 [1] : vector<256x8192xf32> to vector<256xf32>
      %broadcast_in_dim3A_988 = vector.shape_cast %reduce_min3A_987 : vector<256xf32> to vector<256x1xf32>
      %le3A_989 = vector.broadcast %broadcast_in_dim3A_988 : vector<256x1xf32> to vector<256x8192xf32>
      %le3A_990 = arith.cmpf ole, %select_n3A_985, %le3A_989 : vector<256x8192xf32>
      %jit3A_991 = arith.constant 0x7F800000 : f32
      %broadcast_in_dim3A_992 = vector.broadcast %jit3A_991 : f32 to vector<256x8192xf32>
      %select_n3A_993 = arith.select %le3A_990, %broadcast_in_dim3A_992, %select_n3A_985 : vector<256x8192xi1>, vector<256x8192xf32>
      %reduce_min3A_994 = arith.constant dense<0x7F800000> : vector<256xf32>
      %reduce_min3A_995 = vector.multi_reduction <minimumf>, %select_n3A_993, %reduce_min3A_994 [1] : vector<256x8192xf32> to vector<256xf32>
      %broadcast_in_dim3A_996 = vector.shape_cast %reduce_min3A_995 : vector<256xf32> to vector<256x1xf32>
      %le3A_997 = vector.broadcast %broadcast_in_dim3A_996 : vector<256x1xf32> to vector<256x8192xf32>
      %le3A_998 = arith.cmpf ole, %select_n3A_993, %le3A_997 : vector<256x8192xf32>
      %jit3A_999 = arith.constant 0x7F800000 : f32
      %broadcast_in_dim3A_1000 = vector.broadcast %jit3A_999 : f32 to vector<256x8192xf32>
      %select_n3A_1001 = arith.select %le3A_998, %broadcast_in_dim3A_1000, %select_n3A_993 : vector<256x8192xi1>, vector<256x8192xf32>
      %reduce_min3A_1002 = arith.constant dense<0x7F800000> : vector<256xf32>
      %reduce_min3A_1003 = vector.multi_reduction <minimumf>, %select_n3A_1001, %reduce_min3A_1002 [1] : vector<256x8192xf32> to vector<256xf32>
      %broadcast_in_dim3A_1004 = vector.shape_cast %reduce_min3A_1003 : vector<256xf32> to vector<256x1xf32>
      %le3A_1005 = vector.broadcast %broadcast_in_dim3A_1004 : vector<256x1xf32> to vector<256x8192xf32>
      %le3A_1006 = arith.cmpf ole, %select_n3A_1001, %le3A_1005 : vector<256x8192xf32>
      %jit3A_1007 = arith.constant 0x7F800000 : f32
      %broadcast_in_dim3A_1008 = vector.broadcast %jit3A_1007 : f32 to vector<256x8192xf32>
      %select_n3A_1009 = arith.select %le3A_1006, %broadcast_in_dim3A_1008, %select_n3A_1001 : vector<256x8192xi1>, vector<256x8192xf32>
      %reduce_min3A_1010 = arith.constant dense<0x7F800000> : vector<256xf32>
      %reduce_min3A_1011 = vector.multi_reduction <minimumf>, %select_n3A_1009, %reduce_min3A_1010 [1] : vector<256x8192xf32> to vector<256xf32>
      %broadcast_in_dim3A_1012 = vector.shape_cast %reduce_min3A_1011 : vector<256xf32> to vector<256x1xf32>
      %le3A_1013 = vector.broadcast %broadcast_in_dim3A_1012 : vector<256x1xf32> to vector<256x8192xf32>
      %le3A_1014 = arith.cmpf ole, %select_n3A_1009, %le3A_1013 : vector<256x8192xf32>
      %jit3A_1015 = arith.constant 0x7F800000 : f32
      %broadcast_in_dim3A_1016 = vector.broadcast %jit3A_1015 : f32 to vector<256x8192xf32>
      %select_n3A_1017 = arith.select %le3A_1014, %broadcast_in_dim3A_1016, %select_n3A_1009 : vector<256x8192xi1>, vector<256x8192xf32>
      %reduce_min3A_1018 = arith.constant dense<0x7F800000> : vector<256xf32>
      %reduce_min3A_1019 = vector.multi_reduction <minimumf>, %select_n3A_1017, %reduce_min3A_1018 [1] : vector<256x8192xf32> to vector<256xf32>
      %broadcast_in_dim3A_1020 = vector.shape_cast %reduce_min3A_1019 : vector<256xf32> to vector<256x1xf32>
      %le3A_1021 = vector.broadcast %broadcast_in_dim3A_1020 : vector<256x1xf32> to vector<256x8192xf32>
      %le3A_1022 = arith.cmpf ole, %select_n3A_1017, %le3A_1021 : vector<256x8192xf32>
      %jit3A_1023 = arith.constant 0x7F800000 : f32
      %broadcast_in_dim3A_1024 = vector.broadcast %jit3A_1023 : f32 to vector<256x8192xf32>
      %select_n3A_1025 = arith.select %le3A_1022, %broadcast_in_dim3A_1024, %select_n3A_1017 : vector<256x8192xi1>, vector<256x8192xf32>
      %reduce_min3A_1026 = arith.constant dense<0x7F800000> : vector<256xf32>
      %reduce_min3A_1027 = vector.multi_reduction <minimumf>, %select_n3A_1025, %reduce_min3A_1026 [1] : vector<256x8192xf32> to vector<256xf32>
      %broadcast_in_dim3A_1028 = vector.shape_cast %reduce_min3A_1027 : vector<256xf32> to vector<256x1xf32>
      %le3A_1029 = vector.broadcast %broadcast_in_dim3A_1028 : vector<256x1xf32> to vector<256x8192xf32>
      %le3A_1030 = arith.cmpf ole, %select_n3A_1025, %le3A_1029 : vector<256x8192xf32>
      %jit3A_1031 = arith.constant 0x7F800000 : f32
      %broadcast_in_dim3A_1032 = vector.broadcast %jit3A_1031 : f32 to vector<256x8192xf32>
      %select_n3A_1033 = arith.select %le3A_1030, %broadcast_in_dim3A_1032, %select_n3A_1025 : vector<256x8192xi1>, vector<256x8192xf32>
      %reduce_min3A_1034 = arith.constant dense<0x7F800000> : vector<256xf32>
      %reduce_min3A_1035 = vector.multi_reduction <minimumf>, %select_n3A_1033, %reduce_min3A_1034 [1] : vector<256x8192xf32> to vector<256xf32>
      %broadcast_in_dim3A_1036 = vector.shape_cast %reduce_min3A_1035 : vector<256xf32> to vector<256x1xf32>
      %le3A_1037 = vector.broadcast %broadcast_in_dim3A_1036 : vector<256x1xf32> to vector<256x8192xf32>
      %le3A_1038 = arith.cmpf ole, %select_n3A_1033, %le3A_1037 : vector<256x8192xf32>
      %jit3A_1039 = arith.constant 0x7F800000 : f32
      %broadcast_in_dim3A_1040 = vector.broadcast %jit3A_1039 : f32 to vector<256x8192xf32>
      %select_n3A_1041 = arith.select %le3A_1038, %broadcast_in_dim3A_1040, %select_n3A_1033 : vector<256x8192xi1>, vector<256x8192xf32>
      %reduce_min3A_1042 = arith.constant dense<0x7F800000> : vector<256xf32>
      %reduce_min3A_1043 = vector.multi_reduction <minimumf>, %select_n3A_1041, %reduce_min3A_1042 [1] : vector<256x8192xf32> to vector<256xf32>
      %broadcast_in_dim3A_1044 = vector.shape_cast %reduce_min3A_1043 : vector<256xf32> to vector<256x1xf32>
      %le3A_1045 = vector.broadcast %broadcast_in_dim3A_1044 : vector<256x1xf32> to vector<256x8192xf32>
      %le3A_1046 = arith.cmpf ole, %select_n3A_1041, %le3A_1045 : vector<256x8192xf32>
      %jit3A_1047 = arith.constant 0x7F800000 : f32
      %broadcast_in_dim3A_1048 = vector.broadcast %jit3A_1047 : f32 to vector<256x8192xf32>
      %select_n3A_1049 = arith.select %le3A_1046, %broadcast_in_dim3A_1048, %select_n3A_1041 : vector<256x8192xi1>, vector<256x8192xf32>
      %reduce_min3A_1050 = arith.constant dense<0x7F800000> : vector<256xf32>
      %reduce_min3A_1051 = vector.multi_reduction <minimumf>, %select_n3A_1049, %reduce_min3A_1050 [1] : vector<256x8192xf32> to vector<256xf32>
      %broadcast_in_dim3A_1052 = vector.shape_cast %reduce_min3A_1051 : vector<256xf32> to vector<256x1xf32>
      %le3A_1053 = vector.broadcast %broadcast_in_dim3A_1052 : vector<256x1xf32> to vector<256x8192xf32>
      %le3A_1054 = arith.cmpf ole, %select_n3A_1049, %le3A_1053 : vector<256x8192xf32>
      %jit3A_1055 = arith.constant 0x7F800000 : f32
      %broadcast_in_dim3A_1056 = vector.broadcast %jit3A_1055 : f32 to vector<256x8192xf32>
      %select_n3A_1057 = arith.select %le3A_1054, %broadcast_in_dim3A_1056, %select_n3A_1049 : vector<256x8192xi1>, vector<256x8192xf32>
      %reduce_min3A_1058 = arith.constant dense<0x7F800000> : vector<256xf32>
      %reduce_min3A_1059 = vector.multi_reduction <minimumf>, %select_n3A_1057, %reduce_min3A_1058 [1] : vector<256x8192xf32> to vector<256xf32>
      %broadcast_in_dim3A_1060 = vector.shape_cast %reduce_min3A_1059 : vector<256xf32> to vector<256x1xf32>
      scf.yield %broadcast_in_dim3A_1060 : vector<256x1xf32>
    } else {
      scf.yield %broadcast_in_dim3A_880 : vector<256x1xf32>
    }
    %le3A_896 = vector.broadcast %cond3A_895 : vector<256x1xf32> to vector<256x8192xf32>
    %le3A_897 = arith.cmpf ole, %add3A_27, %le3A_896 : vector<256x8192xf32>
    %exp3A = math.exp %mul3A_30 : vector<256x8192xf32>
    %jit3A_898 = arith.constant 0.000000e+00 : f32
    %broadcast_in_dim3A_899 = vector.broadcast %jit3A_898 : f32 to vector<256x8192xf32>
    %select_n3A_900 = arith.select %le3A_897, %exp3A, %broadcast_in_dim3A_899 : vector<256x8192xi1>, vector<256x8192xf32>
    %reduce_sum3A_901 = arith.constant dense<0.000000e+00> : vector<256xf32>
    %reduce_sum3A_902 = vector.multi_reduction <add>, %select_n3A_900, %reduce_sum3A_901 [1] : vector<256x8192xf32> to vector<256xf32>
    %broadcast_in_dim3A_903 = vector.shape_cast %reduce_sum3A_902 : vector<256xf32> to vector<256x1xf32>
    %mul3A_904 = arith.mulf %get3A_4, %get3A_4 : vector<256x32xf32>
    %reduce_sum3A_905 = arith.constant dense<0.000000e+00> : vector<256xf32>
    %reduce_sum3A_906 = vector.multi_reduction <add>, %mul3A_904, %reduce_sum3A_905 [1] : vector<256x32xf32> to vector<256xf32>
    %broadcast_in_dim3A_907 = vector.shape_cast %reduce_sum3A_906 : vector<256xf32> to vector<256x1xf32>
    %sqrt3A_908 = math.sqrt %broadcast_in_dim3A_907 : vector<256x1xf32>
    %max3A_909 = arith.constant 9.99999996E-13 : f32
    %max3A_910 = vector.broadcast %max3A_909 : f32 to vector<256x1xf32>
    %max3A_911 = arith.maximumf %sqrt3A_908, %max3A_910 : vector<256x1xf32>
    %div3A_912 = vector.broadcast %max3A_911 : vector<256x1xf32> to vector<256x32xf32>
    %div3A_913 = arith.divf %get3A_4, %div3A_912 : vector<256x32xf32>
    %mul3A_914 = arith.mulf %div3A_22, %div3A_913 : vector<256x32xf32>
    %reduce_sum3A_915 = arith.constant dense<0.000000e+00> : vector<256xf32>
    %reduce_sum3A_916 = vector.multi_reduction <add>, %mul3A_914, %reduce_sum3A_915 [1] : vector<256x32xf32> to vector<256xf32>
    %broadcast_in_dim3A_917 = vector.shape_cast %reduce_sum3A_916 : vector<256xf32> to vector<256x1xf32>
    %mul3A_918 = arith.constant 14.2857141 : f32
    %mul3A_919 = vector.broadcast %mul3A_918 : f32 to vector<256x1xf32>
    %mul3A_920 = arith.mulf %broadcast_in_dim3A_917, %mul3A_919 : vector<256x1xf32>
    %log3A = math.log %broadcast_in_dim3A_903 : vector<256x1xf32>
    %sub3A = arith.subf %log3A, %mul3A_920 : vector<256x1xf32>
    %reduce_sum3A_921 = vector.shape_cast %sub3A : vector<256x1xf32> to vector<1x256x1xf32>
    %reduce_sum3A_922 = arith.constant dense<0.000000e+00> : vector<1xf32>
    %reduce_sum3A_923 = vector.multi_reduction <add>, %reduce_sum3A_921, %reduce_sum3A_922 [1, 2] : vector<1x256x1xf32> to vector<1xf32>
    %reduce_sum3A_924 = vector.shape_cast %reduce_sum3A_923 : vector<1xf32> to vector<1x1x1xf32>
    %reduce_sum3A_925 = vector.extract %reduce_sum3A_924[0, 0, 0] : f32 from vector<1x1x1xf32>
    %broadcast_in_dim3A_926 = vector.broadcast %reduce_sum3A_925 : f32 to vector<1x1x128xf32>
    %swap3A = arith.constant 0 : index
    %swap3A_927 = arith.constant 0 : index
    %swap3A_928 = arith.constant 0 : index
    %swap3A_929 = vector.load %arg4[%swap3A, %swap3A_927, %swap3A_928] : memref<1x1x128xf32, #tpu.memory_space<vmem>>, vector<1x1x128xf32>
    tpu.vector_store %arg4[%swap3A, %swap3A_927, %swap3A_928], %broadcast_in_dim3A_926 {strides = array<i32>} : memref<1x1x128xf32, #tpu.memory_space<vmem>>, vector<1x1x128xf32>,
    return
  }
  func.func @transform_0(%arg0: i32) -> (i32, i32) {
    %c0_i32 = arith.constant 0 : i32
    %c0_i32_0 = arith.constant 0 : i32
    return %arg0, %c0_i32 : i32, i32
  }
  func.func @transform_1(%arg0: i32) -> (i32, i32) {
    %c0_i32 = arith.constant 0 : i32
    %c0_i32_0 = arith.constant 0 : i32
    return %arg0, %c0_i32 : i32, i32
  }
  func.func @transform_2(%arg0: i32) -> (i32, i32) {
    %c0_i32 = arith.constant 0 : i32
    %c0_i32_0 = arith.constant 0 : i32
    %c0_i32_1 = arith.constant 0 : i32
    return %c0_i32, %c0_i32_0 : i32, i32
  }
  func.func @transform_3(%arg0: i32) -> (i32, i32, i32) {
    %c0_i32 = arith.constant 0 : i32
    %c0_i32_0 = arith.constant 0 : i32
    %c0_i32_1 = arith.constant 0 : i32
    return %arg0, %c0_i32, %c0_i32_0 : i32, i32, i32
  }
}

</mosaic_0001>

<sc_bundles>
// kernel: kernel.4.cloned.1.call-start
scs
__scs_entry_jumppad:
0x0: {  	(pc) =	sbr.rel $0x88, $3  }
0x1: {  	(tag) =	ssettag $0x0;
	lr =	simm.s32 $0x1  }
0x2: {  	[smem:$0x3F9E] =	sst lr;
	_ =	strace $0xD0000000  }
0x3: {  	_ = 	snop  }
0x4: {  	_ = 	snop  }
0x5: {  	_ = 	snop  }
0x6: {  	_ = 	snop  }
0x7: {  	_ = 	snop  }
__scs_overlays_trampoline_lowered:
0x8: {  	[smem:$0x3FAD] =	sst s0  }
0x9: {  	[smem:$0x3FAE] =	sst s1  }
0xa: {  	[smem:$0x3FAF] =	sst s2  }
0xb: {  	[smem:$0x3FB0] =	sst s3  }
0xc: {  	[smem:$0x3FB1] =	sst s4  }
0xd: {  	[smem:$0x3FB2] =	sst s5  }
0xe: {  	[smem:$0x3FB3] =	sst s6  }
0xf: {  	[smem:$0x3FB4] =	sst s7  }
0x10: {  	[smem:$0x3FB5] =	sst s8  }
0x11: {  	[smem:$0x3FB6] =	sst s9;
	s0 =	simm.s32 @!p0 $0x0  }
0x12: {  	s1 =	sld [smem:$0x3F9C];
	s0 =	simm.s32 @p0 $0x1  }
0x13: {  	[smem:$0x3FB7] =	sst s0;
	s0 =	simm.s32 @!p1 $0x0  }
0x14: {  	s2 =	sld [smem:$0x3F9B];
	s0 =	simm.s32 @p1 $0x1  }
0x15: {  	[smem:$0x3FB8] =	sst s0;
	s0 =	simm.s32 @!p2 $0x0  }
0x16: {  	s3 =	sld [smem:$0x3FDB];
	s0 =	simm.s32 @p2 $0x1  }
0x17: {  	s4 =	simm.s32 $0x1BF5;
	[smem:$0x3FBA] =	sst s0  }
0x18: {  	s0 =	sld [smem:$0x3F9D];
	_ =	swait.ge [sflag:s4], $0x0  }
0x19: {  	s7 =	sld [smem:$0x3F9E]  }
0x1a: {  	s8 =	sadd.s32 $0xFFFFE003, lr  }
0x1b: {  	s9 =	sadd.s32 $0xFFFFFEF7, lr;
	s5 =	simm.s32 $0xFFFFFFFF;
	p2 =	slt.u32 s8, $0xFFFFF086  }
0x1c: {  	p1 =	slt.u32 s9, $0xF7A;
	s5 =	simm.s32 @!p2 $0x0  }
0x1d: {  	s5 =	simm.s32 @p1 $0x1;
	p0 =	seq.s32 s7, s2  }
0x1e: {  	s7 =	smul.u32 @!p0 $0xF7A, s2;
	p2 =	seq.s32 @!p0 s5, $0x0  }
0x1f: {  	s9 =	smul.u32 $0xF7A, s1;
	s8 =	simm.s32 @!p0 $0x1BF5;
	p2 =	por !p2, p0  }
0x20: {  	[sflag:s8] =	ssyncset.s32 @!p0 $0xFFFFF086;
	s6 =	sadd.s32 @!p0 s3, s7;
	s7 =	simm.s32 @!p0 $0x108  }
0x21: {  	s3 =	sadd.s32 s3, s9;
	s6 =	sadd.s32 @!p0 $0x88, s6;
	s7 =	simm.s32 @p2 $0x1082  }
0x22: {  	[simem:s7], [sflag:s8] =	dma.local @!p0 [hbm:s6], $0xF7A  }
0x23: {  	s9 =	sor.u32 $0xD0000000, s2;
	s6 =	simm.s32 $0x108;
	_ =	swait.ge @!p0 [sflag:s8], $0x0  }
0x24: {  	s3 =	sadd.s32 $0x88, s3;
	s6 =	simm.s32 @!p1 $0x1082;
	[sflag:s4] =	ssyncset.s32 $0xFFFFF086  }
0x25: {  	[simem:s6], [sflag:s4] =	dma.local [hbm:s3], $0xF7A  }
0x26: {  	[smem:$0x3F9E] =	sst s1;
	(tag) =	ssettag s2;
	_ =	strace s9  }
0x27: {  	s1 =	sld [smem:$0x3FAE]  }
0x28: {  	s2 =	sld [smem:$0x3FAF]  }
0x29: {  	s4 =	sld [smem:$0x3FB1]  }
0x2a: {  	p0 =	seq.s32 s5, $0x0;
	s5 =	sld [smem:$0x3FB2]  }
0x2b: {  	s6 =	sld [smem:$0x3FB3]  }
0x2c: {  	s7 =	sld [smem:$0x3FB4]  }
0x2d: {  	s3 =	simm.s32 $0x108;
	s8 =	sld [smem:$0x3FB5]  }
0x2e: {  	s3 =	simm.s32 @!p0 $0x1082;
	s9 =	sld [smem:$0x3FB6]  }
0x2f: {  	lr =	sadd.s32 s0, s3;
	s0 =	sld [smem:$0x3FAD]  }
0x30: {  	s3 =	sld [smem:$0x3FB0]  }
0x31: {  	[smem:$0x3FB9] =	sst s10  }
0x32: {  	s10 =	sld [smem:$0x3FB7];
	_ =	sdelay $0x3  }
0x33: {  	p0 =	seq.s32 s10, $0x1;
	s10 =	sld [smem:$0x3FB9];
	_ =	sdelay $0x3  }
0x34: {  	[smem:$0x3FB9] =	sst s10  }
0x35: {  	s10 =	sld [smem:$0x3FB8];
	_ =	sdelay $0x3  }
0x36: {  	p1 =	seq.s32 s10, $0x1;
	s10 =	sld [smem:$0x3FB9];
	_ =	sdelay $0x3  }
0x37: {  	[smem:$0x3FB9] =	sst s10  }
0x38: {  	s10 =	sld [smem:$0x3FBA]  }
0x39: {  	_ = 	snop;
	(pc) =	sbr.ind lr, $3  }
0x3a: {  	_ = 	snop  }
0x3b: {  	_ = 	snop  }
0x3c: {  	p2 =	seq.s32 s10, $0x1;
	s10 =	sld [smem:$0x3FB9]  }
0x3d: {  	_ =	shalt  }
0x3e: {  	_ =	shalt  }
0x3f: {  	_ =	shalt  }
0x40: {  	_ =	shalt  }
0x41: {  	_ =	shalt  }
0x42: {  	_ =	shalt  }
0x43: {  	_ =	shalt  }
0x44: {  	_ =	shalt  }
0x45: {  	_ =	shalt  }
0x46: {  	_ =	shalt  }
0x47: {  	_ =	shalt  }
0x48: {  	_ =	shalt  }
0x49: {  	_ =	shalt  }
0x4a: {  	_ =	shalt  }
0x4b: {  	_ =	shalt  }
0x4c: {  	_ =	shalt  }
0x4d: {  	_ =	shalt  }
0x4e: {  	_ =	shalt  }
0x4f: {  	_ =	shalt  }
0x50: {  	_ =	shalt  }
0x51: {  	_ =	shalt  }
0x52: {  	_ =	shalt  }
0x53: {  	_ =	shalt  }
0x54: {  	_ =	shalt  }
0x55: {  	_ =	shalt  }
0x56: {  	_ =	shalt  }
0x57: {  	_ =	shalt  }
0x58: {  	_ =	shalt  }
0x59: {  	_ =	shalt  }
0x5a: {  	_ =	shalt  }
0x5b: {  	_ =	shalt  }
0x5c: {  	_ =	shalt  }
0x5d: {  	_ =	shalt  }
0x5e: {  	_ =	shalt  }
0x5f: {  	_ =	shalt  }
0x60: {  	_ =	shalt  }
0x61: {  	_ =	shalt  }
0x62: {  	_ =	shalt  }
0x63: {  	_ =	shalt  }
0x64: {  	_ =	shalt  }
0x65: {  	_ =	shalt  }
0x66: {  	_ =	shalt  }
0x67: {  	_ =	shalt  }
0x68: {  	_ =	shalt  }
0x69: {  	_ =	shalt  }
0x6a: {  	_ =	shalt  }
0x6b: {  	_ =	shalt  }
0x6c: {  	_ =	shalt  }
0x6d: {  	_ =	shalt  }
0x6e: {  	_ =	shalt  }
0x6f: {  	_ =	shalt  }
0x70: {  	_ =	shalt  }
0x71: {  	_ =	shalt  }
0x72: {  	_ =	shalt  }
0x73: {  	_ =	shalt  }
0x74: {  	_ =	shalt  }
0x75: {  	_ =	shalt  }
0x76: {  	_ =	shalt  }
0x77: {  	_ =	shalt  }
0x78: {  	_ =	shalt  }
0x79: {  	_ =	shalt  }
0x7a: {  	_ =	shalt  }
0x7b: {  	_ =	shalt  }
0x7c: {  	_ =	shalt  }
0x7d: {  	_ =	shalt  }
0x7e: {  	_ =	shalt  }
0x7f: {  	_ =	shalt  }
0x80: {  	_ =	shalt  }
0x81: {  	_ =	shalt  }
0x82: {  	_ =	shalt  }
0x83: {  	_ =	shalt  }
0x84: {  	_ =	shalt  }
0x85: {  	_ =	shalt  }
0x86: {  	_ =	shalt  }
0x87: {  	_ =	shalt  }
.Lfunc_end0:
.L_simem_size_0:
called_computation_lowered:
.L_overlay_start_0:
0x88: {  	s2 =	sld [smem:$0x3FD9]  }
0x89: {  	s3 =	sld [smem:$0x3FFE];
	_ =	sdelay $0x1  }
0x8a: {  	s1 =	srdreg.scid  }
0x8b: {  	s0 =	sand.u32 $0x1, s1  }
0x8c: {  	s16 =	sshll.u32 s0, $0xA;
	s2 =	sadd.s32 s3, s2  }
0x8d: {  	s2 =	sadd.s32 s2, s16  }
0x8e: {  	[smem:$0x3FC5] =	sst s2  }
0x8f: {  	_ = 	snop  }
0x90: {  	(tm) =	ssettm $0x1  }
0x91: {  	s17 =	sld [smem:$0x3FFB];
	_ =	sdelay $0x3  }
0x92: {  	_ =	strace s17  }
0x93: {  	s2 =	sld [smem:$0x3FFC];
	_ =	sdelay $0x3  }
0x94: {  	_ =	strace s2  }
0x95: {  	s2 =	sld [smem:$0x3FFD];
	_ =	sdelay $0x3  }
0x96: {  	_ =	strace s2  }
0x97: {  	_ =	strace $0x8FFFFFFF  }
0x98: {  	s18 =	sld [smem:$0x3FDB];
	_ =	sdelay $0x1  }
0x99: {  	s19 =	simm.s32 $_scs_section_size  }
0x9a: {  	s4 =	simm.s32 $_size__tile_overlayer_lowered;
	s5 =	simm.s32 $_tile_overlayer_lowered  }
0x9b: {  	s22 =	simm.s32 $0x1BFF;
	s21 =	sshll.u32 s5, $0x1;
	s2 =	sadd.s32 s19, s18  }
0x9c: {  	s6 =	simm.s32 $0x0;
	s20 =	sshll.u32 s4, $0x1;
	s4 =	sadd.s32 s21, s2  }
0x9d: {  	[timem:s6], [sflag:s22] =	dma.local [hbm:s4], s20  }
0x9e: {  	_ =	swait.ge [sflag:s22], s20  }
0x9f: {  	s3 =	ssub.s32 $0x0, s20;
	[sflag:s22] =	ssyncset.done $0x0  }
0xa0: {  	[sflag:s22] =	ssyncadd.s32 s3;
	_ =	sdelay $0x1  }
0xa1: {  	s23 =	simm.s32 $0x1B8B  }
0xa2: {  	_ =	swait.ge [sflag:s23], $0x1  }
0xa3: {  	[sflag:s23] =	ssyncset.done $0x0  }
0xa4: {  	s25 =	simm.s32 $0x1B8E;
	s24 =	sld [smem:$0x3FFE];
	[sflag:s23] =	ssyncadd.s32 $0xFFFFFFFF  }
0xa5: {  	s26 =	simm.s32 $execute0_lowered;
	[smem:$0x3FD2] =	sst s25  }
0xa6: {  	s4 =	sshll.u32 s26, $0x1;
	_ =	strace $0x80000046;
	[dreg:$0x1] =	wrdreg $0xFFFFFFFF  }
0xa7: {  	s28 =	simm.s32 $_size_execute0_lowered;
	s2 =	sadd.s32 s2, s4;
	[dreg:$0x0] =	wrdreg $0x0  }
0xa8: {  	s4 =	sshll.u32 s28, $0x1;
	[dreg:$0x2] =	wrdreg s2  }
0xa9: {  	[dreg:$0x3] =	wrdreg s4  }
0xaa: {  	[dreg:$0x4] =	wrdreg $0xC0  }
0xab: {  	_ =	task [dreg:s6], $0x5FFFF  }
0xac: {  	[dreg:$0x1] =	wrdreg $0xFFFFFFFF  }
0xad: {  	[dreg:$0x0] =	wrdreg $0x60  }
0xae: {  	[dreg:$0x2] =	wrdreg s24  }
0xaf: {  	[dreg:$0x3] =	wrdreg $0x9  }
0xb0: {  	_ =	task.clear_ibuf [dreg:s6], $0x4FFFF;
	_ =	strace $0x90000046  }
0xb1: {  	s29 =	simm.s32 $0x9;
	_ =	strace $0x80000048  }
0xb2: {  	_ =	swait.ge [sflag:s29], $0x1  }
0xb3: {  	[sflag:s29] =	ssyncadd.s32 $0xFFFFFFFF  }
0xb4: {  	_ =	strace $0x90000048  }
0xb5: {  	_ =	sfence  }
0xb6: {  	s30 =	sld [smem:$0x0];
	_ =	sdelay $0x2  }
0xb7: {  	s31 =	sshll.u32 s1, $0xD;
	s1 =	sshrl.u32 s1, $0x2  }
0xb8: {  	s3 =	sand.u32 $0x4000, s31;
	s1 =	sadd.s32 s1, s30  }
0xb9: {  	s0 =	sor.u32 s3, s0;
	s1 =	sshll.u32 s1, $0x11  }
0xba: {  	s0 =	sor.u32 s1, s0  }
0xbb: {  	s0 =	sadd.s32 $0x8F2B, s0  }
0xbc: {  	[sflag:s0] =	ssyncadd.remote.s32 $0x1  }
0xbd: {  	_ =	sfence.sel $0xFFFF  }
0xbe: {  	[dreg:$0x0] =	wrdreg $0xFFFFFFFF;
	(pc) =	sbr.abs _section_cstart, $3  }
0xbf: {  	[dreg:$0x1] =	wrdreg $0xFFFFFFFF  }
0xc0: {  	_ =	task.clear_ibuf [dreg:s6], $0x2FFFF;
	_ =	strace $0x9FFFFFFF  }
0xc1: {  	(tm) =	ssettm $0x7FFFFFFF  }
tec
execute0_lowered:
.L_overlay_start_1:
0x0: {  	(tag) =	ssettag $0x1  }
0x1: {  	s1 =	srdreg.scid  }
0x2: {  	s0 =	stileid.u32;
	s6 =	sand.u32 $0x1, s1  }
0x3: {  	s8 =	rddreg [dreg:$0x0];
	s30 =	sshll.u32 s0, $0x8;
	s2 =	sshll.u32 s6, $0x7  }
0x4: {  	s7 =	simm.s32 $0x1;
	s1 =	rddreg [dreg:$0x1];
	s9 =	sor.u32 s2, s30  }
0x5: {  	s5 =	sadd.s32 $0x600, s8;
	s2 =	simm.s32 $0x0;
	s3 =	sshrl.u32 s9, $0x3  }
0x6: {  	s10 =	ssub.s32 $0x2, s6;
	[smem:$0x7FF] =	sst s2;
	s3 =	sadd.s32 s3, s8  }
0x7: {  	_ =	strace $0x80000047;
	s4 =	sadd.s32 $0x400, s3;
	s3 =	simm.s32 $0x2  }
0x8: {  	[tilespmem:s2], [sflag:$0x2] =	stream.linear.gather [hbm4b:s4+s2], $0x80, $0x38;
	[tilespmem:$0x4080] =	vst v63  }
0x9: {  	s6 =	simm.s32 $0x80;
	s11 =	sshrl.u32 s10, $0x1;
	_ =	swait.ge [sflag:s3], $0x80  }
0xa: {  	s9 =	sshll.u32 s9, $0x4;
	s31 =	ssub.s32 s10, s11;
	[sflag:s3] =	ssyncset.done $0x0  }
0xb: {  	s8 =	sadd.s32 s9, s8;
	s9 =	smax.u32 s31, $0x1;
	[sflag:s3] =	ssyncadd.s32 $0xFFFFFF80  }
0xc: {  	[tilespmem:s6], [sflag:$0x1] =	stream.indirect.gather [hbm4b:s5+s6], $0x80, s2, s6, $0xb8;
	[tilespmem:$0x4080] =	vst v63  }
0xd: {  	p0 =	sne.s32 s9, $0x1;
	_ =	swait.ge [sflag:s7], $0x4000  }
.Ltmp0:
0xe: {  	[sflag:s7] =	ssyncset.done $0x0;
	(pc) =	sbr.rel @!p0 .LBB2_2-.Ltmp0, $4  }
0xf: {  	s8 =	sadd.s32 $0x20600, s8;
	[sflag:s7] =	ssyncadd.s32 $0xFFFFC000  }
0x10: {  	[hbm4b:s8+s2] =	stream.linear.scatter [tilespmem:s6], [sflag:$0x2], $0x4000, $0x38;
	[tilespmem:$0x4080] =	vst v63  }
0x11: {  	_ =	swait.ge [sflag:s3], $0x4000  }
0x12: {  	s9 =	sadd.s32 $0xFFFFFFFF, s9;
	[sflag:s3] =	ssyncset.done $0x0  }
.LBB2_1:
0x13: {  	p0 =	sne.s32 s9, $0x1;
	s9 =	sadd.s32 $0xFFFFFFFF, s9;
	[sflag:s3] =	ssyncadd.s32 $0xFFFFC000  }
0x14: {  	[tilespmem:s2], [sflag:$0x2] =	stream.linear.gather [hbm4b:s4+s2], $0x80, $0x38;
	[tilespmem:$0x4080] =	vst v63  }
0x15: {  	_ =	swait.ge [sflag:s3], $0x80  }
0x16: {  	[sflag:s3] =	ssyncset.done $0x0  }
0x17: {  	[sflag:s3] =	ssyncadd.s32 $0xFFFFFF80  }
0x18: {  	[tilespmem:s6], [sflag:$0x1] =	stream.indirect.gather [hbm4b:s5+s6], $0x80, s2, s6, $0xb8;
	[tilespmem:$0x4080] =	vst v63  }
0x19: {  	_ =	swait.ge [sflag:s7], $0x4000  }
.Ltmp1:
0x1a: {  	[sflag:s7] =	ssyncset.done $0x0;
	(pc) =	sbr.rel @p0 .LBB2_1-.Ltmp1, $4  }
0x1b: {  	[sflag:s7] =	ssyncadd.s32 $0xFFFFC000  }
0x1c: {  	[hbm4b:s8+s2] =	stream.linear.scatter [tilespmem:s6], [sflag:$0x2], $0x4000, $0x38;
	[tilespmem:$0x4080] =	vst v63  }
0x1d: {  	_ =	swait.ge [sflag:s3], $0x4000  }
0x1e: {  	[sflag:s3] =	ssyncset.done $0x0  }
.LBB2_2:
0x1f: {  	[sflag:s3] =	ssyncadd.s32 $0xFFFFC000  }
0x20: {  	_ =	sfence.sel $0x180000  }
0x21: {  	[bflag:$0x0] =	sbarrier.arrive $0xFFFF  }
0x22: {  	p0 =	sne.s32 s0, $0x0;
	_ =	strace $0x90000047  }
0x23: {  	s0 =	sadd.s32 @!p0 $0x100000, s1;
	[bflag:$0x2] =	sbarrier.arrive $0xFFFF  }
0x24: {  	[sflag:s0] =	ssyncadd.tile.s32 @!p0 $0x1;
	_ =	shalt  }
.Lfunc_end2:
_tile_overlayer_lowered:
.L_overlay_start_2:
0x25: {  	(tag) =	ssettag $0x2  }
0x26: {  	s0 =	rddreg [dreg:$0x0];
	s2 =	stileid.u32  }
0x27: {  	s1 =	rddreg [dreg:$0x1];
	p0 =	sne.s32 s2, $0x0  }
0x28: {  	s3 =	rddreg [dreg:$0x2];
	[bflag:$0x3] =	sbarrier.arrive $0xFFFF;
	s2 =	simm.s32 @!p0 $0x1C02  }
0x29: {  	[timem:s3], [sflag:s2] =	dma.local @!p0 [hbm:s0], s1  }
0x2a: {  	s0 =	simm.s32 @!p0 $0x2  }
0x2b: {  	_ =	swait.ge @!p0 [sflag:s0], s1  }
0x2c: {  	s1 =	ssub.s32 @!p0 $0x0, s1;
	[sflag:s0] =	ssyncset.done @!p0 $0x0  }
0x2d: {  	[sflag:s0] =	ssyncadd.s32 @!p0 s1  }
0x2e: {  	[bflag:$0x3] =	sbarrier.arrive $0xFFFF  }
0x2f: {  	_ =	shalt  }

</sc_bundles>
